<compile_context>
chip_gen: v7x
topology: tpu7x:2x2x1
jax: 0.10.2.dev20260603
libtpu: 0.0.44.dev20260713+nightly
codegen_flags: <defaults>
</compile_context>

<pallas_src>
import functools

import jax
import jax.numpy as jnp
from jax import lax
from jax.experimental import pallas as pl
from jax.experimental.pallas import tpu as pltpu
from jax.experimental.pallas import tpu_sc as plsc

NC = 2
NS = 16
NW = NC * NS
L = 16
CHUNK = 128


def _ceil_to(a, m):
    return ((a + m - 1) // m) * m




def _sc_degree(dst_p, npad, epad):
    ept = epad // NW
    sl = npad // NS
    mesh = plsc.VectorSubcoreMesh(core_axis_name="c", subcore_axis_name="s")

    @functools.partial(
        pl.kernel,
        out_type=jax.ShapeDtypeStruct((NC * npad,), jnp.float32),
        mesh=mesh,
        compiler_params=pltpu.CompilerParams(use_tc_tiling_on_sc=False),
        scratch_types=[
            pltpu.VMEM((CHUNK,), jnp.int32),
            pltpu.VMEM((CHUNK,), jnp.float32),
            pltpu.VMEM((sl,), jnp.float32),
            pltpu.VMEM_SHARED((npad,), jnp.float32),
        ],
    )
    def deg_kernel(dst_hbm, out_hbm, idx_v, ones_v, slice_v, deg_sh):
        c = lax.axis_index("c")
        s = lax.axis_index("s")
        wid = c * NS + s

        def zrow(i, _):
            slice_v[pl.ds(i * L, L)] = jnp.zeros((L,), jnp.float32)
            return ()

        lax.fori_loop(0, sl // L, zrow, ())
        for i in range(CHUNK // L):
            ones_v[pl.ds(i * L, L)] = jnp.ones((L,), jnp.float32)
        pltpu.sync_copy(slice_v, deg_sh.at[pl.ds(s * sl, sl)])
        plsc.subcore_barrier()

        base = wid * ept

        def body(g, _):
            off = base + g * CHUNK
            pltpu.sync_copy(dst_hbm.at[pl.ds(off, CHUNK)], idx_v)
            pltpu.sync_copy(ones_v, deg_sh.at[idx_v], add=True)
            return ()

        lax.fori_loop(0, ept // CHUNK, body, ())
        plsc.subcore_barrier()
        pltpu.sync_copy(deg_sh.at[pl.ds(s * sl, sl)], slice_v)
        out_off = pl.multiple_of(c * npad + s * sl, 8)
        pltpu.sync_copy(slice_v, out_hbm.at[pl.ds(out_off, sl)])

    return deg_kernel(dst_p).reshape(NC, npad)


def _sc_aggregate(g_tab, src_p, dst_p, npad, epad):
    ept = epad // NW
    sl = npad // NS
    mesh = plsc.VectorSubcoreMesh(core_axis_name="c", subcore_axis_name="s")

    @functools.partial(
        pl.kernel,
        out_type=jax.ShapeDtypeStruct((NC, npad, L), jnp.float32),
        mesh=mesh,
        compiler_params=pltpu.CompilerParams(use_tc_tiling_on_sc=False),
        scratch_types=[
            pltpu.VMEM((CHUNK,), jnp.int32),
            pltpu.VMEM((CHUNK,), jnp.int32),
            pltpu.VMEM((CHUNK, L), jnp.float32),
            pltpu.VMEM((sl, L), jnp.float32),
            pltpu.VMEM_SHARED((npad, L), jnp.float32),
            pltpu.SemaphoreType.DMA,
        ],
    )
    def agg_kernel(g_hbm, src_hbm, dst_hbm, out_hbm,
                   sidx, didx, rows, slice_v, acc_sh, sem):
        c = lax.axis_index("c")
        s = lax.axis_index("s")
        wid = c * NS + s

        def zrow(i, _):
            slice_v[i, :] = jnp.zeros((L,), jnp.float32)
            return ()

        lax.fori_loop(0, sl, zrow, ())
        pltpu.sync_copy(slice_v, acc_sh.at[pl.ds(s * sl, sl)])
        plsc.subcore_barrier()

        base = wid * ept

        def body(g, _):
            off = base + g * CHUNK
            pltpu.sync_copy(src_hbm.at[pl.ds(off, CHUNK)], sidx)
            pltpu.sync_copy(dst_hbm.at[pl.ds(off, CHUNK)], didx)
            pltpu.async_copy(g_hbm.at[sidx], rows, sem).wait()
            pltpu.sync_copy(rows, acc_sh.at[didx], add=True)
            return ()

        lax.fori_loop(0, ept // CHUNK, body, ())
        plsc.subcore_barrier()
        pltpu.sync_copy(acc_sh.at[pl.ds(s * sl, sl)], slice_v)
        pltpu.sync_copy(slice_v, out_hbm.at[c, pl.ds(s * sl, sl)])

    return agg_kernel(g_tab, src_p, dst_p)




def _tc_k1(x_p, W1, deg_p, blk):
    npad, d = x_p.shape
    h = W1.shape[1]
    grid = npad // blk

    def body(x_ref, w_ref, d0_ref, d1_ref, dis_ref, g1_ref):
        deg = d0_ref[...] + d1_ref[...] + 1.0
        dis = lax.rsqrt(deg)
        hh = jnp.dot(x_ref[...], w_ref[...],
                     preferred_element_type=jnp.float32)
        dis_ref[...] = dis
        g1_ref[...] = dis * hh

    return pl.pallas_call(
        body,
        grid=(grid,),
        in_specs=[
            pl.BlockSpec((blk, d), lambda i: (i, 0)),
            pl.BlockSpec((d, h), lambda i: (0, 0)),
            pl.BlockSpec((blk, 1), lambda i: (i, 0)),
            pl.BlockSpec((blk, 1), lambda i: (i, 0)),
        ],
        out_specs=[
            pl.BlockSpec((blk, 1), lambda i: (i, 0)),
            pl.BlockSpec((blk, h), lambda i: (i, 0)),
        ],
        out_shape=[
            jax.ShapeDtypeStruct((npad, 1), jnp.float32),
            jax.ShapeDtypeStruct((npad, h), jnp.float32),
        ],
    )(x_p, W1, deg_p[0][:, None], deg_p[1][:, None])


def _tc_k2(acc, g1, dis, b1, W2, blk):
    npad, h = g1.shape
    c2 = W2.shape[1]
    grid = npad // blk

    def body(a0_ref, a1_ref, g1_ref, dis_ref, b_ref, w_ref, g2_ref):
        ssum = a0_ref[0] + a1_ref[0] + g1_ref[...]
        dis = dis_ref[...]
        z = jnp.maximum(dis * ssum + b_ref[...], 0.0)
        hh = jnp.dot(z, w_ref[...], preferred_element_type=jnp.float32)
        g2_ref[...] = dis * hh

    return pl.pallas_call(
        body,
        grid=(grid,),
        in_specs=[
            pl.BlockSpec((1, blk, h), lambda i: (0, i, 0)),
            pl.BlockSpec((1, blk, h), lambda i: (1, i, 0)),
            pl.BlockSpec((blk, h), lambda i: (i, 0)),
            pl.BlockSpec((blk, 1), lambda i: (i, 0)),
            pl.BlockSpec((1, h), lambda i: (0, 0)),
            pl.BlockSpec((h, c2), lambda i: (0, 0)),
        ],
        out_specs=pl.BlockSpec((blk, c2), lambda i: (i, 0)),
        out_shape=jax.ShapeDtypeStruct((npad, c2), jnp.float32),
    )(acc, acc, g1, dis, b1[None, :], W2)


def _tc_k3(acc, g2, dis, b2, blk):
    npad, c2 = g2.shape
    grid = npad // blk

    def body(a0_ref, a1_ref, g2_ref, dis_ref, b_ref, out_ref):
        ssum = a0_ref[0] + a1_ref[0] + g2_ref[...]
        o = dis_ref[...] * ssum + b_ref[...]
        m = jnp.max(o, axis=-1, keepdims=True)
        lse = jnp.log(jnp.sum(jnp.exp(o - m), axis=-1, keepdims=True)) + m
        out_ref[...] = o - lse

    return pl.pallas_call(
        body,
        grid=(grid,),
        in_specs=[
            pl.BlockSpec((1, blk, c2), lambda i: (0, i, 0)),
            pl.BlockSpec((1, blk, c2), lambda i: (1, i, 0)),
            pl.BlockSpec((blk, c2), lambda i: (i, 0)),
            pl.BlockSpec((blk, 1), lambda i: (i, 0)),
            pl.BlockSpec((1, c2), lambda i: (0, 0)),
        ],
        out_specs=pl.BlockSpec((blk, c2), lambda i: (i, 0)),
        out_shape=jax.ShapeDtypeStruct((npad, c2), jnp.float32),
    )(acc, acc, g2, dis, b2[None, :])




def kernel(x, edge_index, W1, b1, W2, b2):
    n, d = x.shape
    e = edge_index.shape[1]

    npad = _ceil_to(n + 1, 14 * 128)
    epad = _ceil_to(e, NW * CHUNK)

    src_p = jnp.concatenate(
        [edge_index[0], jnp.zeros((epad - e,), edge_index.dtype)])
    dst_p = jnp.concatenate(
        [edge_index[1], jnp.full((epad - e,), n, edge_index.dtype)])
    x_p = jnp.pad(x, ((0, npad - n), (0, 0)))

    blk = npad // 14

    deg_p = _sc_degree(dst_p, npad, epad)
    dis, g1 = _tc_k1(x_p, W1, deg_p, blk)
    acc1 = _sc_aggregate(g1, src_p, dst_p, npad, epad)
    g2 = _tc_k2(acc1, g1, dis, b1, W2, blk)
    acc2 = _sc_aggregate(g2, src_p, dst_p, npad, epad)
    out = _tc_k3(acc2, g2, dis, b2, blk)
    return out[:n]

# --- scband reference (transcript-rebuilt; emitter-appended) ---
"""Pipeline reference for scband-gcn-13898514169996 (READ-ONLY COPY).

The authoritative reference and input builder live on the scoring server;
editing this copy changes nothing except your own understanding.
"""

import jax, jax.numpy as jnp
import numpy as np


def gcn_conv(x, edge_index, W, b):
    n = x.shape[0]
    src = edge_index[0]
    dst = edge_index[1]
    loop = jnp.arange(n, dtype=edge_index.dtype)
    src = jnp.concatenate([src, loop])
    dst = jnp.concatenate([dst, loop])
    ew = jnp.ones(src.shape[0], dtype=x.dtype)
    deg = jax.ops.segment_sum(ew, dst, num_segments=n)
    deg_inv_sqrt = jnp.where(deg > 0, jax.lax.rsqrt(jnp.maximum(deg, 1e-12)), 0.0)
    norm = deg_inv_sqrt[src] * ew * deg_inv_sqrt[dst]
    h = x @ W
    msg = norm[:, None] * jnp.take(h, src, axis=0)
    out = jax.ops.segment_sum(msg, dst, num_segments=n)
    return out + b


def setup_inputs(seed: int = 0) -> dict:
    key = jax.random.key(seed)
    k1, k2, k3, k4, k5, k6 = jax.random.split(key, 6)
    n, d_feat, hidden, num_classes, n_edges = 50000, 128, 16, 16, 800000
    x = jax.random.normal(k1, (n, d_feat), dtype=jnp.float32)
    edge_index = jax.random.randint(k2, (2, n_edges), 0, n, dtype=jnp.int32)
    W1 = jax.random.normal(k3, (d_feat, hidden), dtype=jnp.float32) * (1.0 / np.sqrt(d_feat))
    b1 = jnp.zeros((hidden,), dtype=jnp.float32)
    W2 = jax.random.normal(k4, (hidden, num_classes), dtype=jnp.float32) * (1.0 / np.sqrt(hidden))
    b2 = jnp.zeros((num_classes,), dtype=jnp.float32)
    return {"x": x, "edge_index": edge_index, "W1": W1, "b1": b1, "W2": W2, "b2": b2}


def reference(x, edge_index, W1, b1, W2, b2):
    # GCN forward in eval mode: conv1 -> relu -> (dropout is identity in eval) -> conv2 -> log_softmax
    h = gcn_conv(x, edge_index, W1, b1)
    h = jax.nn.relu(h)
    h = gcn_conv(h, edge_index, W2, b2)
    return jax.nn.log_softmax(h, axis=1)

if __name__ == "__main__":
    import jax
    _d = setup_inputs()
    print(jax.jit(kernel)(*tuple(_d.values())))

</pallas_src>

<mosaic_0001>
#map = affine_map<(d0, d1) -> (0)>
module attributes {stable_mosaic.version = 14 : i64} {
  func.func @deg_kernel(%arg0: i32, %arg1: i32, %arg2: memref<802816xi32, #tpu.memory_space<hbm>>, %arg3: memref<100352xf32, #tpu.memory_space<hbm>>, %arg4: memref<128xi32, #tpu.memory_space<vmem>>, %arg5: memref<128xf32, #tpu.memory_space<vmem>>, %arg6: memref<3136xf32, #tpu.memory_space<vmem>>, %arg7: memref<50176xf32, #tpu.memory_space<vmem_shared>>) attributes {dimension_semantics = [#tpu.dimension_semantics<core_parallel>, #tpu.dimension_semantics<subcore_parallel>], iteration_bounds = array<i64: 2, 16>, scalar_prefetch = 0 : i64, scratch_operands = 4 : i64, tpu.core_type = #tpu.core_type<sc_vector_subcore>, window_params = [{transform_indices = #map}, {transform_indices = #map}]} {
    %mul3A = arith.constant 16 : i32
    %mul3A_0 = arith.muli %arg0, %mul3A : i32
    %add3A = arith.addi %mul3A_0, %arg1 : i32
    %scan3A = arith.constant 0 : i32
    %scan3A_1 = arith.constant 196 : i32
    %scan3A_2 = arith.addi %scan3A, %scan3A_1 : i32
    %scan3A_3 = arith.constant 1 : i32
    scf.for %scan3A_68 = %scan3A to %scan3A_2 step %scan3A_3  : i32 {
      %broadcast_in_dim3A_69 = arith.constant 0.000000e+00 : f32
      %broadcast_in_dim3A_70 = vector.broadcast %broadcast_in_dim3A_69 : f32 to vector<16xf32>
      %mul3A_71 = arith.constant 16 : i32
      %mul3A_72 = arith.muli %scan3A_68, %mul3A_71 : i32
      %swap3A_73 = arith.index_cast %mul3A_72 : i32 to index
      %swap3A_74 = tpu.vector_load %arg6[%swap3A_73] {strides = array<i32>} : memref<3136xf32, #tpu.memory_space<vmem>>, vector<16xf32>,
      %swap3A_75 = vector.shape_cast %swap3A_74 : vector<16xf32> to vector<16xf32>
      %swap3A_76 = vector.shape_cast %broadcast_in_dim3A_70 : vector<16xf32> to vector<16xf32>
      tpu.vector_store %arg6[%swap3A_73], %swap3A_76 {strides = array<i32>} : memref<3136xf32, #tpu.memory_space<vmem>>, vector<16xf32>,
    }
    %scan3A_4 = arith.constant 196 : i32
    %broadcast_in_dim3A = arith.constant 1.000000e+00 : f32
    %broadcast_in_dim3A_5 = vector.broadcast %broadcast_in_dim3A : f32 to vector<16xf32>
    %swap3A = arith.constant 0 : index
    %swap3A_6 = tpu.vector_load %arg5[%swap3A] {strides = array<i32>} : memref<128xf32, #tpu.memory_space<vmem>>, vector<16xf32>,
    %swap3A_7 = vector.shape_cast %swap3A_6 : vector<16xf32> to vector<16xf32>
    %swap3A_8 = vector.shape_cast %broadcast_in_dim3A_5 : vector<16xf32> to vector<16xf32>
    tpu.vector_store %arg5[%swap3A], %swap3A_8 {strides = array<i32>} : memref<128xf32, #tpu.memory_space<vmem>>, vector<16xf32>,
    %broadcast_in_dim3A_9 = arith.constant 1.000000e+00 : f32
    %broadcast_in_dim3A_10 = vector.broadcast %broadcast_in_dim3A_9 : f32 to vector<16xf32>
    %swap3A_11 = arith.constant 16 : index
    %swap3A_12 = tpu.vector_load %arg5[%swap3A_11] {strides = array<i32>} : memref<128xf32, #tpu.memory_space<vmem>>, vector<16xf32>,
    %swap3A_13 = vector.shape_cast %swap3A_12 : vector<16xf32> to vector<16xf32>
    %swap3A_14 = vector.shape_cast %broadcast_in_dim3A_10 : vector<16xf32> to vector<16xf32>
    tpu.vector_store %arg5[%swap3A_11], %swap3A_14 {strides = array<i32>} : memref<128xf32, #tpu.memory_space<vmem>>, vector<16xf32>,
    %broadcast_in_dim3A_15 = arith.constant 1.000000e+00 : f32
    %broadcast_in_dim3A_16 = vector.broadcast %broadcast_in_dim3A_15 : f32 to vector<16xf32>
    %swap3A_17 = arith.constant 32 : index
    %swap3A_18 = tpu.vector_load %arg5[%swap3A_17] {strides = array<i32>} : memref<128xf32, #tpu.memory_space<vmem>>, vector<16xf32>,
    %swap3A_19 = vector.shape_cast %swap3A_18 : vector<16xf32> to vector<16xf32>
    %swap3A_20 = vector.shape_cast %broadcast_in_dim3A_16 : vector<16xf32> to vector<16xf32>
    tpu.vector_store %arg5[%swap3A_17], %swap3A_20 {strides = array<i32>} : memref<128xf32, #tpu.memory_space<vmem>>, vector<16xf32>,
    %broadcast_in_dim3A_21 = arith.constant 1.000000e+00 : f32
    %broadcast_in_dim3A_22 = vector.broadcast %broadcast_in_dim3A_21 : f32 to vector<16xf32>
    %swap3A_23 = arith.constant 48 : index
    %swap3A_24 = tpu.vector_load %arg5[%swap3A_23] {strides = array<i32>} : memref<128xf32, #tpu.memory_space<vmem>>, vector<16xf32>,
    %swap3A_25 = vector.shape_cast %swap3A_24 : vector<16xf32> to vector<16xf32>
    %swap3A_26 = vector.shape_cast %broadcast_in_dim3A_22 : vector<16xf32> to vector<16xf32>
    tpu.vector_store %arg5[%swap3A_23], %swap3A_26 {strides = array<i32>} : memref<128xf32, #tpu.memory_space<vmem>>, vector<16xf32>,
    %broadcast_in_dim3A_27 = arith.constant 1.000000e+00 : f32
    %broadcast_in_dim3A_28 = vector.broadcast %broadcast_in_dim3A_27 : f32 to vector<16xf32>
    %swap3A_29 = arith.constant 64 : index
    %swap3A_30 = tpu.vector_load %arg5[%swap3A_29] {strides = array<i32>} : memref<128xf32, #tpu.memory_space<vmem>>, vector<16xf32>,
    %swap3A_31 = vector.shape_cast %swap3A_30 : vector<16xf32> to vector<16xf32>
    %swap3A_32 = vector.shape_cast %broadcast_in_dim3A_28 : vector<16xf32> to vector<16xf32>
    tpu.vector_store %arg5[%swap3A_29], %swap3A_32 {strides = array<i32>} : memref<128xf32, #tpu.memory_space<vmem>>, vector<16xf32>,
    %broadcast_in_dim3A_33 = arith.constant 1.000000e+00 : f32
    %broadcast_in_dim3A_34 = vector.broadcast %broadcast_in_dim3A_33 : f32 to vector<16xf32>
    %swap3A_35 = arith.constant 80 : index
    %swap3A_36 = tpu.vector_load %arg5[%swap3A_35] {strides = array<i32>} : memref<128xf32, #tpu.memory_space<vmem>>, vector<16xf32>,
    %swap3A_37 = vector.shape_cast %swap3A_36 : vector<16xf32> to vector<16xf32>
    %swap3A_38 = vector.shape_cast %broadcast_in_dim3A_34 : vector<16xf32> to vector<16xf32>
    tpu.vector_store %arg5[%swap3A_35], %swap3A_38 {strides = array<i32>} : memref<128xf32, #tpu.memory_space<vmem>>, vector<16xf32>,
    %broadcast_in_dim3A_39 = arith.constant 1.000000e+00 : f32
    %broadcast_in_dim3A_40 = vector.broadcast %broadcast_in_dim3A_39 : f32 to vector<16xf32>
    %swap3A_41 = arith.constant 96 : index
    %swap3A_42 = tpu.vector_load %arg5[%swap3A_41] {strides = array<i32>} : memref<128xf32, #tpu.memory_space<vmem>>, vector<16xf32>,
    %swap3A_43 = vector.shape_cast %swap3A_42 : vector<16xf32> to vector<16xf32>
    %swap3A_44 = vector.shape_cast %broadcast_in_dim3A_40 : vector<16xf32> to vector<16xf32>
    tpu.vector_store %arg5[%swap3A_41], %swap3A_44 {strides = array<i32>} : memref<128xf32, #tpu.memory_space<vmem>>, vector<16xf32>,
    %broadcast_in_dim3A_45 = arith.constant 1.000000e+00 : f32
    %broadcast_in_dim3A_46 = vector.broadcast %broadcast_in_dim3A_45 : f32 to vector<16xf32>
    %swap3A_47 = arith.constant 112 : index
    %swap3A_48 = tpu.vector_load %arg5[%swap3A_47] {strides = array<i32>} : memref<128xf32, #tpu.memory_space<vmem>>, vector<16xf32>,
    %swap3A_49 = vector.shape_cast %swap3A_48 : vector<16xf32> to vector<16xf32>
    %swap3A_50 = vector.shape_cast %broadcast_in_dim3A_46 : vector<16xf32> to vector<16xf32>
    tpu.vector_store %arg5[%swap3A_47], %swap3A_50 {strides = array<i32>} : memref<128xf32, #tpu.memory_space<vmem>>, vector<16xf32>,
    %mul3A_51 = arith.constant 3136 : i32
    %mul3A_52 = arith.muli %arg1, %mul3A_51 : i32
    "tpu.region"() ({
      %run_scoped3A = tpu.sem_alloc : memref<!tpu.dma_semaphore, #tpu.memory_space<semaphore_mem>>
      %dma_start3A = tpu.memref_slice %arg7[%mul3A_52] : memref<50176xf32, #tpu.memory_space<vmem_shared>> -> memref<3136xf32, #tpu.memory_space<vmem_shared>>
      %dma_start3A_68 = tpu.memref_slice %arg7[%mul3A_52] : memref<50176xf32, #tpu.memory_space<vmem_shared>> -> memref<3136xf32, #tpu.memory_space<vmem_shared>>
      tpu.enqueue_dma source(%arg6 : memref<3136xf32, #tpu.memory_space<vmem>>) target(%dma_start3A_68 : memref<3136xf32, #tpu.memory_space<vmem_shared>>) target_semaphore(%run_scoped3A : memref<!tpu.dma_semaphore, #tpu.memory_space<semaphore_mem>>)
      %dma_wait3A = tpu.memref_slice %arg7[%mul3A_52] : memref<50176xf32, #tpu.memory_space<vmem_shared>> -> memref<3136xf32, #tpu.memory_space<vmem_shared>>
      %dma_wait3A_69 = tpu.memref_slice %arg7[%mul3A_52] : memref<50176xf32, #tpu.memory_space<vmem_shared>> -> memref<3136xf32, #tpu.memory_space<vmem_shared>>
      tpu.wait_dma2 semaphore(%run_scoped3A : memref<!tpu.dma_semaphore, #tpu.memory_space<semaphore_mem>>) src(%arg6 : memref<3136xf32, #tpu.memory_space<vmem>>) dst(%dma_wait3A_69 : memref<3136xf32, #tpu.memory_space<vmem_shared>>)
      tpu.yield
    }) : () -> ()
    %barrier3A = arith.constant 0 : index
    tpu.barrier barrier_id(%barrier3A)
    %mul3A_53 = arith.constant 25088 : i32
    %mul3A_54 = arith.muli %add3A, %mul3A_53 : i32
    %scan3A_55 = arith.constant 0 : i32
    %scan3A_56 = arith.constant 196 : i32
    %scan3A_57 = arith.addi %scan3A_55, %scan3A_56 : i32
    %scan3A_58 = arith.constant 1 : i32
    scf.for %scan3A_68 = %scan3A_55 to %scan3A_57 step %scan3A_58  : i32 {
      %mul3A_69 = arith.constant 128 : i32
      %mul3A_70 = arith.muli %scan3A_68, %mul3A_69 : i32
      %add3A_71 = arith.addi %mul3A_54, %mul3A_70 : i32
      "tpu.region"() ({
        %run_scoped3A = tpu.sem_alloc : memref<!tpu.dma_semaphore, #tpu.memory_space<semaphore_mem>>
        %dma_start3A = tpu.memref_slice %arg2[%add3A_71] : memref<802816xi32, #tpu.memory_space<hbm>> -> memref<128xi32, #tpu.memory_space<hbm>>
        %dma_start3A_72 = tpu.memref_slice %arg2[%add3A_71] : memref<802816xi32, #tpu.memory_space<hbm>> -> memref<128xi32, #tpu.memory_space<hbm>>
        tpu.enqueue_dma source(%dma_start3A_72 : memref<128xi32, #tpu.memory_space<hbm>>) target(%arg4 : memref<128xi32, #tpu.memory_space<vmem>>) target_semaphore(%run_scoped3A : memref<!tpu.dma_semaphore, #tpu.memory_space<semaphore_mem>>)
        %dma_wait3A = tpu.memref_slice %arg2[%add3A_71] : memref<802816xi32, #tpu.memory_space<hbm>> -> memref<128xi32, #tpu.memory_space<hbm>>
        %dma_wait3A_73 = tpu.memref_slice %arg2[%add3A_71] : memref<802816xi32, #tpu.memory_space<hbm>> -> memref<128xi32, #tpu.memory_space<hbm>>
        tpu.wait_dma2 semaphore(%run_scoped3A : memref<!tpu.dma_semaphore, #tpu.memory_space<semaphore_mem>>) src(%dma_wait3A_73 : memref<128xi32, #tpu.memory_space<hbm>>) dst(%arg4 : memref<128xi32, #tpu.memory_space<vmem>>)
        tpu.yield
      }) : () -> ()
      "tpu.region"() ({
        %run_scoped3A = tpu.sem_alloc : memref<!tpu.dma_semaphore, #tpu.memory_space<semaphore_mem>>
        %dma_start3A = arith.constant 0 : i32
        %dma_start3A_72 = tpu.memref_slice %arg7[%dma_start3A] : memref<50176xf32, #tpu.memory_space<vmem_shared>> -> memref<50176xf32, #tpu.memory_space<vmem_shared>>
        tpu.enqueue_indirect_dma source(%arg5 : memref<128xf32, #tpu.memory_space<vmem>>) target(%dma_start3A_72 : memref<50176xf32, #tpu.memory_space<vmem_shared>>) offsets(%arg4 : memref<128xi32, #tpu.memory_space<vmem>>) semaphore(%run_scoped3A : memref<!tpu.dma_semaphore, #tpu.memory_space<semaphore_mem>>) {add = true}
        %dma_wait3A = arith.constant 0 : i32
        %dma_wait3A_73 = tpu.memref_slice %arg7[%dma_wait3A] : memref<50176xf32, #tpu.memory_space<vmem_shared>> -> memref<50176xf32, #tpu.memory_space<vmem_shared>>
        tpu.wait_indirect_dma semaphore(%run_scoped3A : memref<!tpu.dma_semaphore, #tpu.memory_space<semaphore_mem>>) src(%arg5 : memref<128xf32, #tpu.memory_space<vmem>>) dst(%dma_wait3A_73 : memref<50176xf32, #tpu.memory_space<vmem_shared>>)
        tpu.yield
      }) : () -> ()
    }
    %scan3A_59 = arith.constant 196 : i32
    %barrier3A_60 = arith.constant 0 : index
    tpu.barrier barrier_id(%barrier3A_60)
    %mul3A_61 = arith.constant 3136 : i32
    %mul3A_62 = arith.muli %arg1, %mul3A_61 : i32
    "tpu.region"() ({
      %run_scoped3A = tpu.sem_alloc : memref<!tpu.dma_semaphore, #tpu.memory_space<semaphore_mem>>
      %dma_start3A = tpu.memref_slice %arg7[%mul3A_62] : memref<50176xf32, #tpu.memory_space<vmem_shared>> -> memref<3136xf32, #tpu.memory_space<vmem_shared>>
      %dma_start3A_68 = tpu.memref_slice %arg7[%mul3A_62] : memref<50176xf32, #tpu.memory_space<vmem_shared>> -> memref<3136xf32, #tpu.memory_space<vmem_shared>>
      tpu.enqueue_dma source(%dma_start3A_68 : memref<3136xf32, #tpu.memory_space<vmem_shared>>) target(%arg6 : memref<3136xf32, #tpu.memory_space<vmem>>) target_semaphore(%run_scoped3A : memref<!tpu.dma_semaphore, #tpu.memory_space<semaphore_mem>>)
      %dma_wait3A = tpu.memref_slice %arg7[%mul3A_62] : memref<50176xf32, #tpu.memory_space<vmem_shared>> -> memref<3136xf32, #tpu.memory_space<vmem_shared>>
      %dma_wait3A_69 = tpu.memref_slice %arg7[%mul3A_62] : memref<50176xf32, #tpu.memory_space<vmem_shared>> -> memref<3136xf32, #tpu.memory_space<vmem_shared>>
      tpu.wait_dma2 semaphore(%run_scoped3A : memref<!tpu.dma_semaphore, #tpu.memory_space<semaphore_mem>>) src(%dma_wait3A_69 : memref<3136xf32, #tpu.memory_space<vmem_shared>>) dst(%arg6 : memref<3136xf32, #tpu.memory_space<vmem>>)
      tpu.yield
    }) : () -> ()
    %mul3A_63 = arith.constant 50176 : i32
    %mul3A_64 = arith.muli %arg0, %mul3A_63 : i32
    %mul3A_65 = arith.constant 3136 : i32
    %mul3A_66 = arith.muli %arg1, %mul3A_65 : i32
    %add3A_67 = arith.addi %mul3A_64, %mul3A_66 : i32
    %multiple_of3A = tpu.assume_multiple %add3A_67, 8 : i32
    "tpu.region"() ({
      %run_scoped3A = tpu.sem_alloc : memref<!tpu.dma_semaphore, #tpu.memory_space<semaphore_mem>>
      %dma_start3A = tpu.memref_slice %arg3[%multiple_of3A] : memref<100352xf32, #tpu.memory_space<hbm>> -> memref<3136xf32, #tpu.memory_space<hbm>>
      %dma_start3A_68 = tpu.memref_slice %arg3[%multiple_of3A] : memref<100352xf32, #tpu.memory_space<hbm>> -> memref<3136xf32, #tpu.memory_space<hbm>>
      tpu.enqueue_dma source(%arg6 : memref<3136xf32, #tpu.memory_space<vmem>>) target(%dma_start3A_68 : memref<3136xf32, #tpu.memory_space<hbm>>) target_semaphore(%run_scoped3A : memref<!tpu.dma_semaphore, #tpu.memory_space<semaphore_mem>>)
      %dma_wait3A = tpu.memref_slice %arg3[%multiple_of3A] : memref<100352xf32, #tpu.memory_space<hbm>> -> memref<3136xf32, #tpu.memory_space<hbm>>
      %dma_wait3A_69 = tpu.memref_slice %arg3[%multiple_of3A] : memref<100352xf32, #tpu.memory_space<hbm>> -> memref<3136xf32, #tpu.memory_space<hbm>>
      tpu.wait_dma2 semaphore(%run_scoped3A : memref<!tpu.dma_semaphore, #tpu.memory_space<semaphore_mem>>) src(%arg6 : memref<3136xf32, #tpu.memory_space<vmem>>) dst(%dma_wait3A_69 : memref<3136xf32, #tpu.memory_space<hbm>>)
      tpu.yield
    }) : () -> ()
    return
  }
}

#map = affine_map<(d0, d1) -> (0, 0)>
#map1 = affine_map<(d0, d1) -> (0)>
#map2 = affine_map<(d0, d1) -> (0, 0, 0)>
module attributes {stable_mosaic.version = 14 : i64} {
  func.func @agg_kernel(%arg0: i32, %arg1: i32, %arg2: memref<50176x16xf32, #tpu.memory_space<hbm>>, %arg3: memref<802816xi32, #tpu.memory_space<hbm>>, %arg4: memref<802816xi32, #tpu.memory_space<hbm>>, %arg5: memref<2x50176x16xf32, #tpu.memory_space<hbm>>, %arg6: memref<128xi32, #tpu.memory_space<vmem>>, %arg7: memref<128xi32, #tpu.memory_space<vmem>>, %arg8: memref<128x16xf32, #tpu.memory_space<vmem>>, %arg9: memref<3136x16xf32, #tpu.memory_space<vmem>>, %arg10: memref<50176x16xf32, #tpu.memory_space<vmem_shared>>, %arg11: memref<!tpu.dma_semaphore, #tpu.memory_space<semaphore_mem>>) attributes {dimension_semantics = [#tpu.dimension_semantics<core_parallel>, #tpu.dimension_semantics<subcore_parallel>], iteration_bounds = array<i64: 2, 16>, scalar_prefetch = 0 : i64, scratch_operands = 6 : i64, tpu.core_type = #tpu.core_type<sc_vector_subcore>, window_params = [{transform_indices = #map}, {transform_indices = #map1}, {transform_indices = #map1}, {transform_indices = #map2}]} {
    %mul3A = arith.constant 16 : i32
    %mul3A_0 = arith.muli %arg0, %mul3A : i32
    %add3A = arith.addi %mul3A_0, %arg1 : i32
    %scan3A = arith.constant 0 : i32
    %scan3A_1 = arith.constant 3136 : i32
    %scan3A_2 = arith.addi %scan3A, %scan3A_1 : i32
    %scan3A_3 = arith.constant 1 : i32
    scf.for %scan3A_19 = %scan3A to %scan3A_2 step %scan3A_3  : i32 {
      %broadcast_in_dim3A = arith.constant 0.000000e+00 : f32
      %broadcast_in_dim3A_20 = vector.broadcast %broadcast_in_dim3A : f32 to vector<16xf32>
      %swap3A = arith.index_cast %scan3A_19 : i32 to index
      %swap3A_21 = arith.constant 0 : index
      %swap3A_22 = tpu.vector_load %arg9[%swap3A, %swap3A_21] {strides = array<i32>} : memref<3136x16xf32, #tpu.memory_space<vmem>>, vector<1x16xf32>,
      %swap3A_23 = vector.shape_cast %swap3A_22 : vector<1x16xf32> to vector<16xf32>
      %swap3A_24 = vector.shape_cast %broadcast_in_dim3A_20 : vector<16xf32> to vector<1x16xf32>
      tpu.vector_store %arg9[%swap3A, %swap3A_21], %swap3A_24 {strides = array<i32>} : memref<3136x16xf32, #tpu.memory_space<vmem>>, vector<1x16xf32>,
    }
    %scan3A_4 = arith.constant 3136 : i32
    %mul3A_5 = arith.constant 3136 : i32
    %mul3A_6 = arith.muli %arg1, %mul3A_5 : i32
    "tpu.region"() ({
      %run_scoped3A = tpu.sem_alloc : memref<!tpu.dma_semaphore, #tpu.memory_space<semaphore_mem>>
      %dma_start3A = arith.constant 0 : i32
      %dma_start3A_19 = tpu.memref_slice %arg10[%mul3A_6, %dma_start3A] : memref<50176x16xf32, #tpu.memory_space<vmem_shared>> -> memref<3136x16xf32, #tpu.memory_space<vmem_shared>>
      %dma_start3A_20 = arith.constant 0 : i32
      %dma_start3A_21 = tpu.memref_slice %arg10[%mul3A_6, %dma_start3A_20] : memref<50176x16xf32, #tpu.memory_space<vmem_shared>> -> memref<3136x16xf32, #tpu.memory_space<vmem_shared>>
      tpu.enqueue_dma source(%arg9 : memref<3136x16xf32, #tpu.memory_space<vmem>>) target(%dma_start3A_21 : memref<3136x16xf32, #tpu.memory_space<vmem_shared>>) target_semaphore(%run_scoped3A : memref<!tpu.dma_semaphore, #tpu.memory_space<semaphore_mem>>)
      %dma_wait3A = arith.constant 0 : i32
      %dma_wait3A_22 = tpu.memref_slice %arg10[%mul3A_6, %dma_wait3A] : memref<50176x16xf32, #tpu.memory_space<vmem_shared>> -> memref<3136x16xf32, #tpu.memory_space<vmem_shared>>
      %dma_wait3A_23 = arith.constant 0 : i32
      %dma_wait3A_24 = tpu.memref_slice %arg10[%mul3A_6, %dma_wait3A_23] : memref<50176x16xf32, #tpu.memory_space<vmem_shared>> -> memref<3136x16xf32, #tpu.memory_space<vmem_shared>>
      tpu.wait_dma2 semaphore(%run_scoped3A : memref<!tpu.dma_semaphore, #tpu.memory_space<semaphore_mem>>) src(%arg9 : memref<3136x16xf32, #tpu.memory_space<vmem>>) dst(%dma_wait3A_24 : memref<3136x16xf32, #tpu.memory_space<vmem_shared>>)
      tpu.yield
    }) : () -> ()
    %barrier3A = arith.constant 0 : index
    tpu.barrier barrier_id(%barrier3A)
    %mul3A_7 = arith.constant 25088 : i32
    %mul3A_8 = arith.muli %add3A, %mul3A_7 : i32
    %scan3A_9 = arith.constant 0 : i32
    %scan3A_10 = arith.constant 196 : i32
    %scan3A_11 = arith.addi %scan3A_9, %scan3A_10 : i32
    %scan3A_12 = arith.constant 1 : i32
    scf.for %scan3A_19 = %scan3A_9 to %scan3A_11 step %scan3A_12  : i32 {
      %mul3A_20 = arith.constant 128 : i32
      %mul3A_21 = arith.muli %scan3A_19, %mul3A_20 : i32
      %add3A_22 = arith.addi %mul3A_8, %mul3A_21 : i32
      "tpu.region"() ({
        %run_scoped3A = tpu.sem_alloc : memref<!tpu.dma_semaphore, #tpu.memory_space<semaphore_mem>>
        %dma_start3A_27 = tpu.memref_slice %arg3[%add3A_22] : memref<802816xi32, #tpu.memory_space<hbm>> -> memref<128xi32, #tpu.memory_space<hbm>>
        %dma_start3A_28 = tpu.memref_slice %arg3[%add3A_22] : memref<802816xi32, #tpu.memory_space<hbm>> -> memref<128xi32, #tpu.memory_space<hbm>>
        tpu.enqueue_dma source(%dma_start3A_28 : memref<128xi32, #tpu.memory_space<hbm>>) target(%arg6 : memref<128xi32, #tpu.memory_space<vmem>>) target_semaphore(%run_scoped3A : memref<!tpu.dma_semaphore, #tpu.memory_space<semaphore_mem>>)
        %dma_wait3A_29 = tpu.memref_slice %arg3[%add3A_22] : memref<802816xi32, #tpu.memory_space<hbm>> -> memref<128xi32, #tpu.memory_space<hbm>>
        %dma_wait3A_30 = tpu.memref_slice %arg3[%add3A_22] : memref<802816xi32, #tpu.memory_space<hbm>> -> memref<128xi32, #tpu.memory_space<hbm>>
        tpu.wait_dma2 semaphore(%run_scoped3A : memref<!tpu.dma_semaphore, #tpu.memory_space<semaphore_mem>>) src(%dma_wait3A_30 : memref<128xi32, #tpu.memory_space<hbm>>) dst(%arg6 : memref<128xi32, #tpu.memory_space<vmem>>)
        tpu.yield
      }) : () -> ()
      "tpu.region"() ({
        %run_scoped3A = tpu.sem_alloc : memref<!tpu.dma_semaphore, #tpu.memory_space<semaphore_mem>>
        %dma_start3A_27 = tpu.memref_slice %arg4[%add3A_22] : memref<802816xi32, #tpu.memory_space<hbm>> -> memref<128xi32, #tpu.memory_space<hbm>>
        %dma_start3A_28 = tpu.memref_slice %arg4[%add3A_22] : memref<802816xi32, #tpu.memory_space<hbm>> -> memref<128xi32, #tpu.memory_space<hbm>>
        tpu.enqueue_dma source(%dma_start3A_28 : memref<128xi32, #tpu.memory_space<hbm>>) target(%arg7 : memref<128xi32, #tpu.memory_space<vmem>>) target_semaphore(%run_scoped3A : memref<!tpu.dma_semaphore, #tpu.memory_space<semaphore_mem>>)
        %dma_wait3A_29 = tpu.memref_slice %arg4[%add3A_22] : memref<802816xi32, #tpu.memory_space<hbm>> -> memref<128xi32, #tpu.memory_space<hbm>>
        %dma_wait3A_30 = tpu.memref_slice %arg4[%add3A_22] : memref<802816xi32, #tpu.memory_space<hbm>> -> memref<128xi32, #tpu.memory_space<hbm>>
        tpu.wait_dma2 semaphore(%run_scoped3A : memref<!tpu.dma_semaphore, #tpu.memory_space<semaphore_mem>>) src(%dma_wait3A_30 : memref<128xi32, #tpu.memory_space<hbm>>) dst(%arg7 : memref<128xi32, #tpu.memory_space<vmem>>)
        tpu.yield
      }) : () -> ()
      %dma_start3A = arith.constant 0 : i32
      %dma_start3A_23 = arith.constant 0 : i32
      %dma_start3A_24 = tpu.memref_slice %arg2[%dma_start3A, %dma_start3A_23] : memref<50176x16xf32, #tpu.memory_space<hbm>> -> memref<50176x16xf32, #tpu.memory_space<hbm>>
      tpu.enqueue_indirect_dma source(%dma_start3A_24 : memref<50176x16xf32, #tpu.memory_space<hbm>>) target(%arg8 : memref<128x16xf32, #tpu.memory_space<vmem>>) offsets(%arg6 : memref<128xi32, #tpu.memory_space<vmem>>) semaphore(%arg11 : memref<!tpu.dma_semaphore, #tpu.memory_space<semaphore_mem>>)
      %dma_wait3A = arith.constant 0 : i32
      %dma_wait3A_25 = arith.constant 0 : i32
      %dma_wait3A_26 = tpu.memref_slice %arg2[%dma_wait3A, %dma_wait3A_25] : memref<50176x16xf32, #tpu.memory_space<hbm>> -> memref<50176x16xf32, #tpu.memory_space<hbm>>
      tpu.wait_indirect_dma semaphore(%arg11 : memref<!tpu.dma_semaphore, #tpu.memory_space<semaphore_mem>>) src(%dma_wait3A_26 : memref<50176x16xf32, #tpu.memory_space<hbm>>) dst(%arg8 : memref<128x16xf32, #tpu.memory_space<vmem>>)
      "tpu.region"() ({
        %run_scoped3A = tpu.sem_alloc : memref<!tpu.dma_semaphore, #tpu.memory_space<semaphore_mem>>
        %dma_start3A_27 = arith.constant 0 : i32
        %dma_start3A_28 = arith.constant 0 : i32
        %dma_start3A_29 = tpu.memref_slice %arg10[%dma_start3A_27, %dma_start3A_28] : memref<50176x16xf32, #tpu.memory_space<vmem_shared>> -> memref<50176x16xf32, #tpu.memory_space<vmem_shared>>
        tpu.enqueue_indirect_dma source(%arg8 : memref<128x16xf32, #tpu.memory_space<vmem>>) target(%dma_start3A_29 : memref<50176x16xf32, #tpu.memory_space<vmem_shared>>) offsets(%arg7 : memref<128xi32, #tpu.memory_space<vmem>>) semaphore(%run_scoped3A : memref<!tpu.dma_semaphore, #tpu.memory_space<semaphore_mem>>) {add = true}
        %dma_wait3A_30 = arith.constant 0 : i32
        %dma_wait3A_31 = arith.constant 0 : i32
        %dma_wait3A_32 = tpu.memref_slice %arg10[%dma_wait3A_30, %dma_wait3A_31] : memref<50176x16xf32, #tpu.memory_space<vmem_shared>> -> memref<50176x16xf32, #tpu.memory_space<vmem_shared>>
        tpu.wait_indirect_dma semaphore(%run_scoped3A : memref<!tpu.dma_semaphore, #tpu.memory_space<semaphore_mem>>) src(%arg8 : memref<128x16xf32, #tpu.memory_space<vmem>>) dst(%dma_wait3A_32 : memref<50176x16xf32, #tpu.memory_space<vmem_shared>>)
        tpu.yield
      }) : () -> ()
    }
    %scan3A_13 = arith.constant 196 : i32
    %barrier3A_14 = arith.constant 0 : index
    tpu.barrier barrier_id(%barrier3A_14)
    %mul3A_15 = arith.constant 3136 : i32
    %mul3A_16 = arith.muli %arg1, %mul3A_15 : i32
    "tpu.region"() ({
      %run_scoped3A = tpu.sem_alloc : memref<!tpu.dma_semaphore, #tpu.memory_space<semaphore_mem>>
      %dma_start3A = arith.constant 0 : i32
      %dma_start3A_19 = tpu.memref_slice %arg10[%mul3A_16, %dma_start3A] : memref<50176x16xf32, #tpu.memory_space<vmem_shared>> -> memref<3136x16xf32, #tpu.memory_space<vmem_shared>>
      %dma_start3A_20 = arith.constant 0 : i32
      %dma_start3A_21 = tpu.memref_slice %arg10[%mul3A_16, %dma_start3A_20] : memref<50176x16xf32, #tpu.memory_space<vmem_shared>> -> memref<3136x16xf32, #tpu.memory_space<vmem_shared>>
      tpu.enqueue_dma source(%dma_start3A_21 : memref<3136x16xf32, #tpu.memory_space<vmem_shared>>) target(%arg9 : memref<3136x16xf32, #tpu.memory_space<vmem>>) target_semaphore(%run_scoped3A : memref<!tpu.dma_semaphore, #tpu.memory_space<semaphore_mem>>)
      %dma_wait3A = arith.constant 0 : i32
      %dma_wait3A_22 = tpu.memref_slice %arg10[%mul3A_16, %dma_wait3A] : memref<50176x16xf32, #tpu.memory_space<vmem_shared>> -> memref<3136x16xf32, #tpu.memory_space<vmem_shared>>
      %dma_wait3A_23 = arith.constant 0 : i32
      %dma_wait3A_24 = tpu.memref_slice %arg10[%mul3A_16, %dma_wait3A_23] : memref<50176x16xf32, #tpu.memory_space<vmem_shared>> -> memref<3136x16xf32, #tpu.memory_space<vmem_shared>>
      tpu.wait_dma2 semaphore(%run_scoped3A : memref<!tpu.dma_semaphore, #tpu.memory_space<semaphore_mem>>) src(%dma_wait3A_24 : memref<3136x16xf32, #tpu.memory_space<vmem_shared>>) dst(%arg9 : memref<3136x16xf32, #tpu.memory_space<vmem>>)
      tpu.yield
    }) : () -> ()
    %mul3A_17 = arith.constant 3136 : i32
    %mul3A_18 = arith.muli %arg1, %mul3A_17 : i32
    "tpu.region"() ({
      %run_scoped3A = tpu.sem_alloc : memref<!tpu.dma_semaphore, #tpu.memory_space<semaphore_mem>>
      %dma_start3A = arith.constant 0 : i32
      %dma_start3A_19 = tpu.memref_slice %arg5[%arg0, %mul3A_18, %dma_start3A] : memref<2x50176x16xf32, #tpu.memory_space<hbm>> -> memref<1x3136x16xf32, #tpu.memory_space<hbm>>
      %dma_start3A_20 = tpu.memref_squeeze %dma_start3A_19 : memref<1x3136x16xf32, #tpu.memory_space<hbm>> -> memref<3136x16xf32, #tpu.memory_space<hbm>>
      %dma_start3A_21 = arith.constant 0 : i32
      %dma_start3A_22 = tpu.memref_slice %arg5[%arg0, %mul3A_18, %dma_start3A_21] : memref<2x50176x16xf32, #tpu.memory_space<hbm>> -> memref<1x3136x16xf32, #tpu.memory_space<hbm>>
      %dma_start3A_23 = tpu.memref_squeeze %dma_start3A_22 : memref<1x3136x16xf32, #tpu.memory_space<hbm>> -> memref<3136x16xf32, #tpu.memory_space<hbm>>
      tpu.enqueue_dma source(%arg9 : memref<3136x16xf32, #tpu.memory_space<vmem>>) target(%dma_start3A_23 : memref<3136x16xf32, #tpu.memory_space<hbm>>) target_semaphore(%run_scoped3A : memref<!tpu.dma_semaphore, #tpu.memory_space<semaphore_mem>>)
      %dma_wait3A = arith.constant 0 : i32
      %dma_wait3A_24 = tpu.memref_slice %arg5[%arg0, %mul3A_18, %dma_wait3A] : memref<2x50176x16xf32, #tpu.memory_space<hbm>> -> memref<1x3136x16xf32, #tpu.memory_space<hbm>>
      %dma_wait3A_25 = tpu.memref_squeeze %dma_wait3A_24 : memref<1x3136x16xf32, #tpu.memory_space<hbm>> -> memref<3136x16xf32, #tpu.memory_space<hbm>>
      %dma_wait3A_26 = arith.constant 0 : i32
      %dma_wait3A_27 = tpu.memref_slice %arg5[%arg0, %mul3A_18, %dma_wait3A_26] : memref<2x50176x16xf32, #tpu.memory_space<hbm>> -> memref<1x3136x16xf32, #tpu.memory_space<hbm>>
      %dma_wait3A_28 = tpu.memref_squeeze %dma_wait3A_27 : memref<1x3136x16xf32, #tpu.memory_space<hbm>> -> memref<3136x16xf32, #tpu.memory_space<hbm>>
      tpu.wait_dma2 semaphore(%run_scoped3A : memref<!tpu.dma_semaphore, #tpu.memory_space<semaphore_mem>>) src(%arg9 : memref<3136x16xf32, #tpu.memory_space<vmem>>) dst(%dma_wait3A_28 : memref<3136x16xf32, #tpu.memory_space<hbm>>)
      tpu.yield
    }) : () -> ()
    return
  }
}

#map = affine_map<(d0, d1) -> (0, 0)>
#map1 = affine_map<(d0, d1) -> (0)>
#map2 = affine_map<(d0, d1) -> (0, 0, 0)>
module attributes {stable_mosaic.version = 14 : i64} {
  func.func @agg_kernel(%arg0: i32, %arg1: i32, %arg2: memref<50176x16xf32, #tpu.memory_space<hbm>>, %arg3: memref<802816xi32, #tpu.memory_space<hbm>>, %arg4: memref<802816xi32, #tpu.memory_space<hbm>>, %arg5: memref<2x50176x16xf32, #tpu.memory_space<hbm>>, %arg6: memref<128xi32, #tpu.memory_space<vmem>>, %arg7: memref<128xi32, #tpu.memory_space<vmem>>, %arg8: memref<128x16xf32, #tpu.memory_space<vmem>>, %arg9: memref<3136x16xf32, #tpu.memory_space<vmem>>, %arg10: memref<50176x16xf32, #tpu.memory_space<vmem_shared>>, %arg11: memref<!tpu.dma_semaphore, #tpu.memory_space<semaphore_mem>>) attributes {dimension_semantics = [#tpu.dimension_semantics<core_parallel>, #tpu.dimension_semantics<subcore_parallel>], iteration_bounds = array<i64: 2, 16>, scalar_prefetch = 0 : i64, scratch_operands = 6 : i64, tpu.core_type = #tpu.core_type<sc_vector_subcore>, window_params = [{transform_indices = #map}, {transform_indices = #map1}, {transform_indices = #map1}, {transform_indices = #map2}]} {
    %mul3A = arith.constant 16 : i32
    %mul3A_0 = arith.muli %arg0, %mul3A : i32
    %add3A = arith.addi %mul3A_0, %arg1 : i32
    %scan3A = arith.constant 0 : i32
    %scan3A_1 = arith.constant 3136 : i32
    %scan3A_2 = arith.addi %scan3A, %scan3A_1 : i32
    %scan3A_3 = arith.constant 1 : i32
    scf.for %scan3A_19 = %scan3A to %scan3A_2 step %scan3A_3  : i32 {
      %broadcast_in_dim3A = arith.constant 0.000000e+00 : f32
      %broadcast_in_dim3A_20 = vector.broadcast %broadcast_in_dim3A : f32 to vector<16xf32>
      %swap3A = arith.index_cast %scan3A_19 : i32 to index
      %swap3A_21 = arith.constant 0 : index
      %swap3A_22 = tpu.vector_load %arg9[%swap3A, %swap3A_21] {strides = array<i32>} : memref<3136x16xf32, #tpu.memory_space<vmem>>, vector<1x16xf32>,
      %swap3A_23 = vector.shape_cast %swap3A_22 : vector<1x16xf32> to vector<16xf32>
      %swap3A_24 = vector.shape_cast %broadcast_in_dim3A_20 : vector<16xf32> to vector<1x16xf32>
      tpu.vector_store %arg9[%swap3A, %swap3A_21], %swap3A_24 {strides = array<i32>} : memref<3136x16xf32, #tpu.memory_space<vmem>>, vector<1x16xf32>,
    }
    %scan3A_4 = arith.constant 3136 : i32
    %mul3A_5 = arith.constant 3136 : i32
    %mul3A_6 = arith.muli %arg1, %mul3A_5 : i32
    "tpu.region"() ({
      %run_scoped3A = tpu.sem_alloc : memref<!tpu.dma_semaphore, #tpu.memory_space<semaphore_mem>>
      %dma_start3A = arith.constant 0 : i32
      %dma_start3A_19 = tpu.memref_slice %arg10[%mul3A_6, %dma_start3A] : memref<50176x16xf32, #tpu.memory_space<vmem_shared>> -> memref<3136x16xf32, #tpu.memory_space<vmem_shared>>
      %dma_start3A_20 = arith.constant 0 : i32
      %dma_start3A_21 = tpu.memref_slice %arg10[%mul3A_6, %dma_start3A_20] : memref<50176x16xf32, #tpu.memory_space<vmem_shared>> -> memref<3136x16xf32, #tpu.memory_space<vmem_shared>>
      tpu.enqueue_dma source(%arg9 : memref<3136x16xf32, #tpu.memory_space<vmem>>) target(%dma_start3A_21 : memref<3136x16xf32, #tpu.memory_space<vmem_shared>>) target_semaphore(%run_scoped3A : memref<!tpu.dma_semaphore, #tpu.memory_space<semaphore_mem>>)
      %dma_wait3A = arith.constant 0 : i32
      %dma_wait3A_22 = tpu.memref_slice %arg10[%mul3A_6, %dma_wait3A] : memref<50176x16xf32, #tpu.memory_space<vmem_shared>> -> memref<3136x16xf32, #tpu.memory_space<vmem_shared>>
      %dma_wait3A_23 = arith.constant 0 : i32
      %dma_wait3A_24 = tpu.memref_slice %arg10[%mul3A_6, %dma_wait3A_23] : memref<50176x16xf32, #tpu.memory_space<vmem_shared>> -> memref<3136x16xf32, #tpu.memory_space<vmem_shared>>
      tpu.wait_dma2 semaphore(%run_scoped3A : memref<!tpu.dma_semaphore, #tpu.memory_space<semaphore_mem>>) src(%arg9 : memref<3136x16xf32, #tpu.memory_space<vmem>>) dst(%dma_wait3A_24 : memref<3136x16xf32, #tpu.memory_space<vmem_shared>>)
      tpu.yield
    }) : () -> ()
    %barrier3A = arith.constant 0 : index
    tpu.barrier barrier_id(%barrier3A)
    %mul3A_7 = arith.constant 25088 : i32
    %mul3A_8 = arith.muli %add3A, %mul3A_7 : i32
    %scan3A_9 = arith.constant 0 : i32
    %scan3A_10 = arith.constant 196 : i32
    %scan3A_11 = arith.addi %scan3A_9, %scan3A_10 : i32
    %scan3A_12 = arith.constant 1 : i32
    scf.for %scan3A_19 = %scan3A_9 to %scan3A_11 step %scan3A_12  : i32 {
      %mul3A_20 = arith.constant 128 : i32
      %mul3A_21 = arith.muli %scan3A_19, %mul3A_20 : i32
      %add3A_22 = arith.addi %mul3A_8, %mul3A_21 : i32
      "tpu.region"() ({
        %run_scoped3A = tpu.sem_alloc : memref<!tpu.dma_semaphore, #tpu.memory_space<semaphore_mem>>
        %dma_start3A_27 = tpu.memref_slice %arg3[%add3A_22] : memref<802816xi32, #tpu.memory_space<hbm>> -> memref<128xi32, #tpu.memory_space<hbm>>
        %dma_start3A_28 = tpu.memref_slice %arg3[%add3A_22] : memref<802816xi32, #tpu.memory_space<hbm>> -> memref<128xi32, #tpu.memory_space<hbm>>
        tpu.enqueue_dma source(%dma_start3A_28 : memref<128xi32, #tpu.memory_space<hbm>>) target(%arg6 : memref<128xi32, #tpu.memory_space<vmem>>) target_semaphore(%run_scoped3A : memref<!tpu.dma_semaphore, #tpu.memory_space<semaphore_mem>>)
        %dma_wait3A_29 = tpu.memref_slice %arg3[%add3A_22] : memref<802816xi32, #tpu.memory_space<hbm>> -> memref<128xi32, #tpu.memory_space<hbm>>
        %dma_wait3A_30 = tpu.memref_slice %arg3[%add3A_22] : memref<802816xi32, #tpu.memory_space<hbm>> -> memref<128xi32, #tpu.memory_space<hbm>>
        tpu.wait_dma2 semaphore(%run_scoped3A : memref<!tpu.dma_semaphore, #tpu.memory_space<semaphore_mem>>) src(%dma_wait3A_30 : memref<128xi32, #tpu.memory_space<hbm>>) dst(%arg6 : memref<128xi32, #tpu.memory_space<vmem>>)
        tpu.yield
      }) : () -> ()
      "tpu.region"() ({
        %run_scoped3A = tpu.sem_alloc : memref<!tpu.dma_semaphore, #tpu.memory_space<semaphore_mem>>
        %dma_start3A_27 = tpu.memref_slice %arg4[%add3A_22] : memref<802816xi32, #tpu.memory_space<hbm>> -> memref<128xi32, #tpu.memory_space<hbm>>
        %dma_start3A_28 = tpu.memref_slice %arg4[%add3A_22] : memref<802816xi32, #tpu.memory_space<hbm>> -> memref<128xi32, #tpu.memory_space<hbm>>
        tpu.enqueue_dma source(%dma_start3A_28 : memref<128xi32, #tpu.memory_space<hbm>>) target(%arg7 : memref<128xi32, #tpu.memory_space<vmem>>) target_semaphore(%run_scoped3A : memref<!tpu.dma_semaphore, #tpu.memory_space<semaphore_mem>>)
        %dma_wait3A_29 = tpu.memref_slice %arg4[%add3A_22] : memref<802816xi32, #tpu.memory_space<hbm>> -> memref<128xi32, #tpu.memory_space<hbm>>
        %dma_wait3A_30 = tpu.memref_slice %arg4[%add3A_22] : memref<802816xi32, #tpu.memory_space<hbm>> -> memref<128xi32, #tpu.memory_space<hbm>>
        tpu.wait_dma2 semaphore(%run_scoped3A : memref<!tpu.dma_semaphore, #tpu.memory_space<semaphore_mem>>) src(%dma_wait3A_30 : memref<128xi32, #tpu.memory_space<hbm>>) dst(%arg7 : memref<128xi32, #tpu.memory_space<vmem>>)
        tpu.yield
      }) : () -> ()
      %dma_start3A = arith.constant 0 : i32
      %dma_start3A_23 = arith.constant 0 : i32
      %dma_start3A_24 = tpu.memref_slice %arg2[%dma_start3A, %dma_start3A_23] : memref<50176x16xf32, #tpu.memory_space<hbm>> -> memref<50176x16xf32, #tpu.memory_space<hbm>>
      tpu.enqueue_indirect_dma source(%dma_start3A_24 : memref<50176x16xf32, #tpu.memory_space<hbm>>) target(%arg8 : memref<128x16xf32, #tpu.memory_space<vmem>>) offsets(%arg6 : memref<128xi32, #tpu.memory_space<vmem>>) semaphore(%arg11 : memref<!tpu.dma_semaphore, #tpu.memory_space<semaphore_mem>>)
      %dma_wait3A = arith.constant 0 : i32
      %dma_wait3A_25 = arith.constant 0 : i32
      %dma_wait3A_26 = tpu.memref_slice %arg2[%dma_wait3A, %dma_wait3A_25] : memref<50176x16xf32, #tpu.memory_space<hbm>> -> memref<50176x16xf32, #tpu.memory_space<hbm>>
      tpu.wait_indirect_dma semaphore(%arg11 : memref<!tpu.dma_semaphore, #tpu.memory_space<semaphore_mem>>) src(%dma_wait3A_26 : memref<50176x16xf32, #tpu.memory_space<hbm>>) dst(%arg8 : memref<128x16xf32, #tpu.memory_space<vmem>>)
      "tpu.region"() ({
        %run_scoped3A = tpu.sem_alloc : memref<!tpu.dma_semaphore, #tpu.memory_space<semaphore_mem>>
        %dma_start3A_27 = arith.constant 0 : i32
        %dma_start3A_28 = arith.constant 0 : i32
        %dma_start3A_29 = tpu.memref_slice %arg10[%dma_start3A_27, %dma_start3A_28] : memref<50176x16xf32, #tpu.memory_space<vmem_shared>> -> memref<50176x16xf32, #tpu.memory_space<vmem_shared>>
        tpu.enqueue_indirect_dma source(%arg8 : memref<128x16xf32, #tpu.memory_space<vmem>>) target(%dma_start3A_29 : memref<50176x16xf32, #tpu.memory_space<vmem_shared>>) offsets(%arg7 : memref<128xi32, #tpu.memory_space<vmem>>) semaphore(%run_scoped3A : memref<!tpu.dma_semaphore, #tpu.memory_space<semaphore_mem>>) {add = true}
        %dma_wait3A_30 = arith.constant 0 : i32
        %dma_wait3A_31 = arith.constant 0 : i32
        %dma_wait3A_32 = tpu.memref_slice %arg10[%dma_wait3A_30, %dma_wait3A_31] : memref<50176x16xf32, #tpu.memory_space<vmem_shared>> -> memref<50176x16xf32, #tpu.memory_space<vmem_shared>>
        tpu.wait_indirect_dma semaphore(%run_scoped3A : memref<!tpu.dma_semaphore, #tpu.memory_space<semaphore_mem>>) src(%arg8 : memref<128x16xf32, #tpu.memory_space<vmem>>) dst(%dma_wait3A_32 : memref<50176x16xf32, #tpu.memory_space<vmem_shared>>)
        tpu.yield
      }) : () -> ()
    }
    %scan3A_13 = arith.constant 196 : i32
    %barrier3A_14 = arith.constant 0 : index
    tpu.barrier barrier_id(%barrier3A_14)
    %mul3A_15 = arith.constant 3136 : i32
    %mul3A_16 = arith.muli %arg1, %mul3A_15 : i32
    "tpu.region"() ({
      %run_scoped3A = tpu.sem_alloc : memref<!tpu.dma_semaphore, #tpu.memory_space<semaphore_mem>>
      %dma_start3A = arith.constant 0 : i32
      %dma_start3A_19 = tpu.memref_slice %arg10[%mul3A_16, %dma_start3A] : memref<50176x16xf32, #tpu.memory_space<vmem_shared>> -> memref<3136x16xf32, #tpu.memory_space<vmem_shared>>
      %dma_start3A_20 = arith.constant 0 : i32
      %dma_start3A_21 = tpu.memref_slice %arg10[%mul3A_16, %dma_start3A_20] : memref<50176x16xf32, #tpu.memory_space<vmem_shared>> -> memref<3136x16xf32, #tpu.memory_space<vmem_shared>>
      tpu.enqueue_dma source(%dma_start3A_21 : memref<3136x16xf32, #tpu.memory_space<vmem_shared>>) target(%arg9 : memref<3136x16xf32, #tpu.memory_space<vmem>>) target_semaphore(%run_scoped3A : memref<!tpu.dma_semaphore, #tpu.memory_space<semaphore_mem>>)
      %dma_wait3A = arith.constant 0 : i32
      %dma_wait3A_22 = tpu.memref_slice %arg10[%mul3A_16, %dma_wait3A] : memref<50176x16xf32, #tpu.memory_space<vmem_shared>> -> memref<3136x16xf32, #tpu.memory_space<vmem_shared>>
      %dma_wait3A_23 = arith.constant 0 : i32
      %dma_wait3A_24 = tpu.memref_slice %arg10[%mul3A_16, %dma_wait3A_23] : memref<50176x16xf32, #tpu.memory_space<vmem_shared>> -> memref<3136x16xf32, #tpu.memory_space<vmem_shared>>
      tpu.wait_dma2 semaphore(%run_scoped3A : memref<!tpu.dma_semaphore, #tpu.memory_space<semaphore_mem>>) src(%dma_wait3A_24 : memref<3136x16xf32, #tpu.memory_space<vmem_shared>>) dst(%arg9 : memref<3136x16xf32, #tpu.memory_space<vmem>>)
      tpu.yield
    }) : () -> ()
    %mul3A_17 = arith.constant 3136 : i32
    %mul3A_18 = arith.muli %arg1, %mul3A_17 : i32
    "tpu.region"() ({
      %run_scoped3A = tpu.sem_alloc : memref<!tpu.dma_semaphore, #tpu.memory_space<semaphore_mem>>
      %dma_start3A = arith.constant 0 : i32
      %dma_start3A_19 = tpu.memref_slice %arg5[%arg0, %mul3A_18, %dma_start3A] : memref<2x50176x16xf32, #tpu.memory_space<hbm>> -> memref<1x3136x16xf32, #tpu.memory_space<hbm>>
      %dma_start3A_20 = tpu.memref_squeeze %dma_start3A_19 : memref<1x3136x16xf32, #tpu.memory_space<hbm>> -> memref<3136x16xf32, #tpu.memory_space<hbm>>
      %dma_start3A_21 = arith.constant 0 : i32
      %dma_start3A_22 = tpu.memref_slice %arg5[%arg0, %mul3A_18, %dma_start3A_21] : memref<2x50176x16xf32, #tpu.memory_space<hbm>> -> memref<1x3136x16xf32, #tpu.memory_space<hbm>>
      %dma_start3A_23 = tpu.memref_squeeze %dma_start3A_22 : memref<1x3136x16xf32, #tpu.memory_space<hbm>> -> memref<3136x16xf32, #tpu.memory_space<hbm>>
      tpu.enqueue_dma source(%arg9 : memref<3136x16xf32, #tpu.memory_space<vmem>>) target(%dma_start3A_23 : memref<3136x16xf32, #tpu.memory_space<hbm>>) target_semaphore(%run_scoped3A : memref<!tpu.dma_semaphore, #tpu.memory_space<semaphore_mem>>)
      %dma_wait3A = arith.constant 0 : i32
      %dma_wait3A_24 = tpu.memref_slice %arg5[%arg0, %mul3A_18, %dma_wait3A] : memref<2x50176x16xf32, #tpu.memory_space<hbm>> -> memref<1x3136x16xf32, #tpu.memory_space<hbm>>
      %dma_wait3A_25 = tpu.memref_squeeze %dma_wait3A_24 : memref<1x3136x16xf32, #tpu.memory_space<hbm>> -> memref<3136x16xf32, #tpu.memory_space<hbm>>
      %dma_wait3A_26 = arith.constant 0 : i32
      %dma_wait3A_27 = tpu.memref_slice %arg5[%arg0, %mul3A_18, %dma_wait3A_26] : memref<2x50176x16xf32, #tpu.memory_space<hbm>> -> memref<1x3136x16xf32, #tpu.memory_space<hbm>>
      %dma_wait3A_28 = tpu.memref_squeeze %dma_wait3A_27 : memref<1x3136x16xf32, #tpu.memory_space<hbm>> -> memref<3136x16xf32, #tpu.memory_space<hbm>>
      tpu.wait_dma2 semaphore(%run_scoped3A : memref<!tpu.dma_semaphore, #tpu.memory_space<semaphore_mem>>) src(%arg9 : memref<3136x16xf32, #tpu.memory_space<vmem>>) dst(%dma_wait3A_28 : memref<3136x16xf32, #tpu.memory_space<hbm>>)
      tpu.yield
    }) : () -> ()
    return
  }
}

module attributes {stable_mosaic.version = 14 : i64} {
  func.func @body(%arg0: i32, %arg1: memref<3584x128xf32, #tpu.memory_space<vmem>>, %arg2: memref<128x16xf32, #tpu.memory_space<vmem>>, %arg3: memref<3584x1xf32, #tpu.memory_space<vmem>>, %arg4: memref<3584x1xf32, #tpu.memory_space<vmem>>, %arg5: memref<3584x1xf32, #tpu.memory_space<vmem>>, %arg6: memref<3584x16xf32, #tpu.memory_space<vmem>>) attributes {dimension_semantics = [#tpu.dimension_semantics<arbitrary>], iteration_bounds = array<i64: 14>, scalar_prefetch = 0 : i64, scratch_operands = 0 : i64, tpu.core_type = #tpu.core_type<tc>, window_params = [{transform_indices = @transform_0, window_bounds = array<i64: 3584, 128>}, {pipeline_mode = #tpu.pipeline_mode<synchronous>, transform_indices = @transform_1, window_bounds = array<i64: 128, 16>}, {transform_indices = @transform_2, window_bounds = array<i64: 3584, 1>}, {transform_indices = @transform_3, window_bounds = array<i64: 3584, 1>}, {transform_indices = @transform_4, window_bounds = array<i64: 3584, 1>}, {transform_indices = @transform_5, window_bounds = array<i64: 3584, 16>}]} {
    %get3A = arith.constant 0 : index
    %get3A_0 = arith.constant 0 : index
    %get3A_1 = vector.load %arg3[%get3A, %get3A_0] : memref<3584x1xf32, #tpu.memory_space<vmem>>, vector<3584x1xf32>
    %get3A_2 = arith.constant 0 : index
    %get3A_3 = arith.constant 0 : index
    %get3A_4 = vector.load %arg4[%get3A_2, %get3A_3] : memref<3584x1xf32, #tpu.memory_space<vmem>>, vector<3584x1xf32>
    %add3A = arith.addf %get3A_1, %get3A_4 : vector<3584x1xf32>
    %add3A_5 = arith.constant 1.000000e+00 : f32
    %add3A_6 = vector.broadcast %add3A_5 : f32 to vector<3584x1xf32>
    %add3A_7 = arith.addf %add3A, %add3A_6 : vector<3584x1xf32>
    %rsqrt3A = math.rsqrt %add3A_7 : vector<3584x1xf32>
    %get3A_8 = arith.constant 0 : index
    %get3A_9 = arith.constant 0 : index
    %get3A_10 = vector.load %arg1[%get3A_8, %get3A_9] : memref<3584x128xf32, #tpu.memory_space<vmem>>, vector<3584x128xf32>
    %get3A_11 = arith.constant 0 : index
    %get3A_12 = arith.constant 0 : index
    %get3A_13 = vector.load %arg2[%get3A_11, %get3A_12] : memref<128x16xf32, #tpu.memory_space<vmem>>, vector<128x16xf32>
    %dot_general3A = arith.constant dense<0.000000e+00> : vector<3584x16xf32>
    %dot_general3A_14 = tpu.matmul %get3A_10, %get3A_13, %dot_general3A {dimension_numbers = #tpu.dot_dimension_numbers<[1], [0], [0], [1], [0, 0, 1, 1], [], []>, transpose_lhs_hint = false} : vector<3584x128xf32>, vector<128x16xf32>, vector<3584x16xf32> -> vector<3584x16xf32>
    %swap3A = arith.constant 0 : index
    %swap3A_15 = arith.constant 0 : index
    %swap3A_16 = vector.load %arg5[%swap3A, %swap3A_15] : memref<3584x1xf32, #tpu.memory_space<vmem>>, vector<3584x1xf32>
    tpu.vector_store %arg5[%swap3A, %swap3A_15], %rsqrt3A {strides = array<i32>} : memref<3584x1xf32, #tpu.memory_space<vmem>>, vector<3584x1xf32>,
    %mul3A = vector.broadcast %rsqrt3A : vector<3584x1xf32> to vector<3584x16xf32>
    %mul3A_17 = arith.mulf %mul3A, %dot_general3A_14 : vector<3584x16xf32>
    %swap3A_18 = arith.constant 0 : index
    %swap3A_19 = arith.constant 0 : index
    %swap3A_20 = vector.load %arg6[%swap3A_18, %swap3A_19] : memref<3584x16xf32, #tpu.memory_space<vmem>>, vector<3584x16xf32>
    tpu.vector_store %arg6[%swap3A_18, %swap3A_19], %mul3A_17 {strides = array<i32>} : memref<3584x16xf32, #tpu.memory_space<vmem>>, vector<3584x16xf32>,
    return
  }
  func.func @transform_0(%arg0: i32) -> (i32, i32) {
    %c0_i32 = arith.constant 0 : i32
    %c0_i32_0 = arith.constant 0 : i32
    return %arg0, %c0_i32 : i32, i32
  }
  func.func @transform_1(%arg0: i32) -> (i32, i32) {
    %c0_i32 = arith.constant 0 : i32
    %c0_i32_0 = arith.constant 0 : i32
    %c0_i32_1 = arith.constant 0 : i32
    return %c0_i32, %c0_i32_0 : i32, i32
  }
  func.func @transform_2(%arg0: i32) -> (i32, i32) {
    %c0_i32 = arith.constant 0 : i32
    %c0_i32_0 = arith.constant 0 : i32
    return %arg0, %c0_i32 : i32, i32
  }
  func.func @transform_3(%arg0: i32) -> (i32, i32) {
    %c0_i32 = arith.constant 0 : i32
    %c0_i32_0 = arith.constant 0 : i32
    return %arg0, %c0_i32 : i32, i32
  }
  func.func @transform_4(%arg0: i32) -> (i32, i32) {
    %c0_i32 = arith.constant 0 : i32
    %c0_i32_0 = arith.constant 0 : i32
    return %arg0, %c0_i32 : i32, i32
  }
  func.func @transform_5(%arg0: i32) -> (i32, i32) {
    %c0_i32 = arith.constant 0 : i32
    %c0_i32_0 = arith.constant 0 : i32
    return %arg0, %c0_i32 : i32, i32
  }
}

module attributes {stable_mosaic.version = 14 : i64} {
  func.func @body(%arg0: i32, %arg1: memref<1x3584x16xf32, #tpu.memory_space<vmem>>, %arg2: memref<1x3584x16xf32, #tpu.memory_space<vmem>>, %arg3: memref<3584x16xf32, #tpu.memory_space<vmem>>, %arg4: memref<3584x1xf32, #tpu.memory_space<vmem>>, %arg5: memref<1x16xf32, #tpu.memory_space<vmem>>, %arg6: memref<16x16xf32, #tpu.memory_space<vmem>>, %arg7: memref<3584x16xf32, #tpu.memory_space<vmem>>) attributes {dimension_semantics = [#tpu.dimension_semantics<arbitrary>], iteration_bounds = array<i64: 14>, scalar_prefetch = 0 : i64, scratch_operands = 0 : i64, tpu.core_type = #tpu.core_type<tc>, window_params = [{transform_indices = @transform_0, window_bounds = array<i64: 1, 3584, 16>}, {transform_indices = @transform_1, window_bounds = array<i64: 1, 3584, 16>}, {transform_indices = @transform_2, window_bounds = array<i64: 3584, 16>}, {transform_indices = @transform_3, window_bounds = array<i64: 3584, 1>}, {pipeline_mode = #tpu.pipeline_mode<synchronous>, transform_indices = @transform_4, window_bounds = array<i64: 1, 16>}, {pipeline_mode = #tpu.pipeline_mode<synchronous>, transform_indices = @transform_5, window_bounds = array<i64: 16, 16>}, {transform_indices = @transform_6, window_bounds = array<i64: 3584, 16>}]} {
    %get3A = arith.constant 0 : index
    %get3A_0 = arith.constant 0 : index
    %get3A_1 = arith.constant 0 : index
    %get3A_2 = vector.load %arg1[%get3A, %get3A_0, %get3A_1] : memref<1x3584x16xf32, #tpu.memory_space<vmem>>, vector<1x3584x16xf32>
    %get3A_3 = vector.shape_cast %get3A_2 : vector<1x3584x16xf32> to vector<3584x16xf32>
    %get3A_4 = arith.constant 0 : index
    %get3A_5 = arith.constant 0 : index
    %get3A_6 = arith.constant 0 : index
    %get3A_7 = vector.load %arg2[%get3A_4, %get3A_5, %get3A_6] : memref<1x3584x16xf32, #tpu.memory_space<vmem>>, vector<1x3584x16xf32>
    %get3A_8 = vector.shape_cast %get3A_7 : vector<1x3584x16xf32> to vector<3584x16xf32>
    %add3A = arith.addf %get3A_3, %get3A_8 : vector<3584x16xf32>
    %get3A_9 = arith.constant 0 : index
    %get3A_10 = arith.constant 0 : index
    %get3A_11 = vector.load %arg3[%get3A_9, %get3A_10] : memref<3584x16xf32, #tpu.memory_space<vmem>>, vector<3584x16xf32>
    %add3A_12 = arith.addf %add3A, %get3A_11 : vector<3584x16xf32>
    %get3A_13 = arith.constant 0 : index
    %get3A_14 = arith.constant 0 : index
    %get3A_15 = vector.load %arg4[%get3A_13, %get3A_14] : memref<3584x1xf32, #tpu.memory_space<vmem>>, vector<3584x1xf32>
    %mul3A = vector.broadcast %get3A_15 : vector<3584x1xf32> to vector<3584x16xf32>
    %mul3A_16 = arith.mulf %mul3A, %add3A_12 : vector<3584x16xf32>
    %get3A_17 = arith.constant 0 : index
    %get3A_18 = arith.constant 0 : index
    %get3A_19 = vector.load %arg5[%get3A_17, %get3A_18] : memref<1x16xf32, #tpu.memory_space<vmem>>, vector<1x16xf32>
    %add3A_20 = vector.broadcast %get3A_19 : vector<1x16xf32> to vector<3584x16xf32>
    %add3A_21 = arith.addf %mul3A_16, %add3A_20 : vector<3584x16xf32>
    %max3A = arith.constant 0.000000e+00 : f32
    %max3A_22 = vector.broadcast %max3A : f32 to vector<3584x16xf32>
    %max3A_23 = arith.maximumf %add3A_21, %max3A_22 : vector<3584x16xf32>
    %get3A_24 = arith.constant 0 : index
    %get3A_25 = arith.constant 0 : index
    %get3A_26 = vector.load %arg6[%get3A_24, %get3A_25] : memref<16x16xf32, #tpu.memory_space<vmem>>, vector<16x16xf32>
    %dot_general3A = arith.constant dense<0.000000e+00> : vector<3584x16xf32>
    %dot_general3A_27 = tpu.matmul %max3A_23, %get3A_26, %dot_general3A {dimension_numbers = #tpu.dot_dimension_numbers<[1], [0], [0], [1], [0, 0, 1, 1], [], []>, transpose_lhs_hint = false} : vector<3584x16xf32>, vector<16x16xf32>, vector<3584x16xf32> -> vector<3584x16xf32>
    %mul3A_28 = vector.broadcast %get3A_15 : vector<3584x1xf32> to vector<3584x16xf32>
    %mul3A_29 = arith.mulf %mul3A_28, %dot_general3A_27 : vector<3584x16xf32>
    %swap3A = arith.constant 0 : index
    %swap3A_30 = arith.constant 0 : index
    %swap3A_31 = vector.load %arg7[%swap3A, %swap3A_30] : memref<3584x16xf32, #tpu.memory_space<vmem>>, vector<3584x16xf32>
    tpu.vector_store %arg7[%swap3A, %swap3A_30], %mul3A_29 {strides = array<i32>} : memref<3584x16xf32, #tpu.memory_space<vmem>>, vector<3584x16xf32>,
    return
  }
  func.func @transform_0(%arg0: i32) -> (i32, i32, i32) {
    %c0_i32 = arith.constant 0 : i32
    %c0_i32_0 = arith.constant 0 : i32
    %c0_i32_1 = arith.constant 0 : i32
    return %c0_i32, %arg0, %c0_i32_0 : i32, i32, i32
  }
  func.func @transform_1(%arg0: i32) -> (i32, i32, i32) {
    %c1_i32 = arith.constant 1 : i32
    %c0_i32 = arith.constant 0 : i32
    %c0_i32_0 = arith.constant 0 : i32
    return %c1_i32, %arg0, %c0_i32 : i32, i32, i32
  }
  func.func @transform_2(%arg0: i32) -> (i32, i32) {
    %c0_i32 = arith.constant 0 : i32
    %c0_i32_0 = arith.constant 0 : i32
    return %arg0, %c0_i32 : i32, i32
  }
  func.func @transform_3(%arg0: i32) -> (i32, i32) {
    %c0_i32 = arith.constant 0 : i32
    %c0_i32_0 = arith.constant 0 : i32
    return %arg0, %c0_i32 : i32, i32
  }
  func.func @transform_4(%arg0: i32) -> (i32, i32) {
    %c0_i32 = arith.constant 0 : i32
    %c0_i32_0 = arith.constant 0 : i32
    %c0_i32_1 = arith.constant 0 : i32
    return %c0_i32, %c0_i32_0 : i32, i32
  }
  func.func @transform_5(%arg0: i32) -> (i32, i32) {
    %c0_i32 = arith.constant 0 : i32
    %c0_i32_0 = arith.constant 0 : i32
    %c0_i32_1 = arith.constant 0 : i32
    return %c0_i32, %c0_i32_0 : i32, i32
  }
  func.func @transform_6(%arg0: i32) -> (i32, i32) {
    %c0_i32 = arith.constant 0 : i32
    %c0_i32_0 = arith.constant 0 : i32
    return %arg0, %c0_i32 : i32, i32
  }
}

module attributes {stable_mosaic.version = 14 : i64} {
  func.func @body(%arg0: i32, %arg1: memref<1x3584x16xf32, #tpu.memory_space<vmem>>, %arg2: memref<1x3584x16xf32, #tpu.memory_space<vmem>>, %arg3: memref<3584x16xf32, #tpu.memory_space<vmem>>, %arg4: memref<3584x1xf32, #tpu.memory_space<vmem>>, %arg5: memref<1x16xf32, #tpu.memory_space<vmem>>, %arg6: memref<3584x16xf32, #tpu.memory_space<vmem>>) attributes {dimension_semantics = [#tpu.dimension_semantics<arbitrary>], iteration_bounds = array<i64: 14>, scalar_prefetch = 0 : i64, scratch_operands = 0 : i64, tpu.core_type = #tpu.core_type<tc>, window_params = [{transform_indices = @transform_0, window_bounds = array<i64: 1, 3584, 16>}, {transform_indices = @transform_1, window_bounds = array<i64: 1, 3584, 16>}, {transform_indices = @transform_2, window_bounds = array<i64: 3584, 16>}, {transform_indices = @transform_3, window_bounds = array<i64: 3584, 1>}, {pipeline_mode = #tpu.pipeline_mode<synchronous>, transform_indices = @transform_4, window_bounds = array<i64: 1, 16>}, {transform_indices = @transform_5, window_bounds = array<i64: 3584, 16>}]} {
    %get3A = arith.constant 0 : index
    %get3A_0 = arith.constant 0 : index
    %get3A_1 = arith.constant 0 : index
    %get3A_2 = vector.load %arg1[%get3A, %get3A_0, %get3A_1] : memref<1x3584x16xf32, #tpu.memory_space<vmem>>, vector<1x3584x16xf32>
    %get3A_3 = vector.shape_cast %get3A_2 : vector<1x3584x16xf32> to vector<3584x16xf32>
    %get3A_4 = arith.constant 0 : index
    %get3A_5 = arith.constant 0 : index
    %get3A_6 = arith.constant 0 : index
    %get3A_7 = vector.load %arg2[%get3A_4, %get3A_5, %get3A_6] : memref<1x3584x16xf32, #tpu.memory_space<vmem>>, vector<1x3584x16xf32>
    %get3A_8 = vector.shape_cast %get3A_7 : vector<1x3584x16xf32> to vector<3584x16xf32>
    %add3A = arith.addf %get3A_3, %get3A_8 : vector<3584x16xf32>
    %get3A_9 = arith.constant 0 : index
    %get3A_10 = arith.constant 0 : index
    %get3A_11 = vector.load %arg3[%get3A_9, %get3A_10] : memref<3584x16xf32, #tpu.memory_space<vmem>>, vector<3584x16xf32>
    %add3A_12 = arith.addf %add3A, %get3A_11 : vector<3584x16xf32>
    %get3A_13 = arith.constant 0 : index
    %get3A_14 = arith.constant 0 : index
    %get3A_15 = vector.load %arg4[%get3A_13, %get3A_14] : memref<3584x1xf32, #tpu.memory_space<vmem>>, vector<3584x1xf32>
    %mul3A = vector.broadcast %get3A_15 : vector<3584x1xf32> to vector<3584x16xf32>
    %mul3A_16 = arith.mulf %mul3A, %add3A_12 : vector<3584x16xf32>
    %get3A_17 = arith.constant 0 : index
    %get3A_18 = arith.constant 0 : index
    %get3A_19 = vector.load %arg5[%get3A_17, %get3A_18] : memref<1x16xf32, #tpu.memory_space<vmem>>, vector<1x16xf32>
    %add3A_20 = vector.broadcast %get3A_19 : vector<1x16xf32> to vector<3584x16xf32>
    %add3A_21 = arith.addf %mul3A_16, %add3A_20 : vector<3584x16xf32>
    %reduce_max3A = arith.constant dense<0xFF800000> : vector<3584xf32>
    %reduce_max3A_22 = vector.multi_reduction <maximumf>, %add3A_21, %reduce_max3A [1] : vector<3584x16xf32> to vector<3584xf32>
    %broadcast_in_dim3A = vector.shape_cast %reduce_max3A_22 : vector<3584xf32> to vector<3584x1xf32>
    %sub3A = vector.broadcast %broadcast_in_dim3A : vector<3584x1xf32> to vector<3584x16xf32>
    %sub3A_23 = arith.subf %add3A_21, %sub3A : vector<3584x16xf32>
    %exp3A = math.exp %sub3A_23 : vector<3584x16xf32>
    %reduce_sum3A = arith.constant dense<0.000000e+00> : vector<3584xf32>
    %reduce_sum3A_24 = vector.multi_reduction <add>, %exp3A, %reduce_sum3A [1] : vector<3584x16xf32> to vector<3584xf32>
    %broadcast_in_dim3A_25 = vector.shape_cast %reduce_sum3A_24 : vector<3584xf32> to vector<3584x1xf32>
    %log3A = math.log %broadcast_in_dim3A_25 : vector<3584x1xf32>
    %add3A_26 = arith.addf %log3A, %broadcast_in_dim3A : vector<3584x1xf32>
    %sub3A_27 = vector.broadcast %add3A_26 : vector<3584x1xf32> to vector<3584x16xf32>
    %sub3A_28 = arith.subf %add3A_21, %sub3A_27 : vector<3584x16xf32>
    %swap3A = arith.constant 0 : index
    %swap3A_29 = arith.constant 0 : index
    %swap3A_30 = vector.load %arg6[%swap3A, %swap3A_29] : memref<3584x16xf32, #tpu.memory_space<vmem>>, vector<3584x16xf32>
    tpu.vector_store %arg6[%swap3A, %swap3A_29], %sub3A_28 {strides = array<i32>} : memref<3584x16xf32, #tpu.memory_space<vmem>>, vector<3584x16xf32>,
    return
  }
  func.func @transform_0(%arg0: i32) -> (i32, i32, i32) {
    %c0_i32 = arith.constant 0 : i32
    %c0_i32_0 = arith.constant 0 : i32
    %c0_i32_1 = arith.constant 0 : i32
    return %c0_i32, %arg0, %c0_i32_0 : i32, i32, i32
  }
  func.func @transform_1(%arg0: i32) -> (i32, i32, i32) {
    %c1_i32 = arith.constant 1 : i32
    %c0_i32 = arith.constant 0 : i32
    %c0_i32_0 = arith.constant 0 : i32
    return %c1_i32, %arg0, %c0_i32 : i32, i32, i32
  }
  func.func @transform_2(%arg0: i32) -> (i32, i32) {
    %c0_i32 = arith.constant 0 : i32
    %c0_i32_0 = arith.constant 0 : i32
    return %arg0, %c0_i32 : i32, i32
  }
  func.func @transform_3(%arg0: i32) -> (i32, i32) {
    %c0_i32 = arith.constant 0 : i32
    %c0_i32_0 = arith.constant 0 : i32
    return %arg0, %c0_i32 : i32, i32
  }
  func.func @transform_4(%arg0: i32) -> (i32, i32) {
    %c0_i32 = arith.constant 0 : i32
    %c0_i32_0 = arith.constant 0 : i32
    %c0_i32_1 = arith.constant 0 : i32
    return %c0_i32, %c0_i32_0 : i32, i32
  }
  func.func @transform_5(%arg0: i32) -> (i32, i32) {
    %c0_i32 = arith.constant 0 : i32
    %c0_i32_0 = arith.constant 0 : i32
    return %arg0, %c0_i32 : i32, i32
  }
}

</mosaic_0001>

<sc_bundles>
// kernel: kernel.11.cloned.1.call-start
scs
__scs_entry_jumppad:
0x0: {  	(pc) =	sbr.rel $0x88, $3  }
0x1: {  	(tag) =	ssettag $0x0;
	lr =	simm.s32 $0x1  }
0x2: {  	[smem:$0x3F9B] =	sst lr;
	_ =	strace $0xD0000000  }
0x3: {  	_ = 	snop  }
0x4: {  	_ = 	snop  }
0x5: {  	_ = 	snop  }
0x6: {  	_ = 	snop  }
0x7: {  	_ = 	snop  }
__scs_overlays_trampoline_lowered:
0x8: {  	[smem:$0x3FAA] =	sst s0  }
0x9: {  	[smem:$0x3FAB] =	sst s1  }
0xa: {  	[smem:$0x3FAC] =	sst s2  }
0xb: {  	[smem:$0x3FAD] =	sst s3  }
0xc: {  	[smem:$0x3FAE] =	sst s4  }
0xd: {  	[smem:$0x3FAF] =	sst s5  }
0xe: {  	[smem:$0x3FB0] =	sst s6  }
0xf: {  	[smem:$0x3FB1] =	sst s7  }
0x10: {  	[smem:$0x3FB2] =	sst s8  }
0x11: {  	[smem:$0x3FB3] =	sst s9;
	s0 =	simm.s32 @!p0 $0x0  }
0x12: {  	s1 =	sld [smem:$0x3F99];
	s0 =	simm.s32 @p0 $0x1  }
0x13: {  	[smem:$0x3FB4] =	sst s0;
	s0 =	simm.s32 @!p1 $0x0  }
0x14: {  	s2 =	sld [smem:$0x3F98];
	s0 =	simm.s32 @p1 $0x1  }
0x15: {  	[smem:$0x3FB5] =	sst s0;
	s0 =	simm.s32 @!p2 $0x0  }
0x16: {  	s3 =	sld [smem:$0x3FDB];
	s0 =	simm.s32 @p2 $0x1  }
0x17: {  	s4 =	simm.s32 $0x1BF5;
	[smem:$0x3FB7] =	sst s0  }
0x18: {  	s0 =	sld [smem:$0x3F9A];
	_ =	swait.ge [sflag:s4], $0x0  }
0x19: {  	s7 =	sld [smem:$0x3F9B]  }
0x1a: {  	s8 =	sadd.s32 $0xFFFFE003, lr  }
0x1b: {  	s9 =	sadd.s32 $0xFFFFFEF7, lr;
	s5 =	simm.s32 $0xFFFFFFFF;
	p2 =	slt.u32 s8, $0xFFFFF086  }
0x1c: {  	p1 =	slt.u32 s9, $0xF7A;
	s5 =	simm.s32 @!p2 $0x0  }
0x1d: {  	s5 =	simm.s32 @p1 $0x1;
	p0 =	seq.s32 s7, s2  }
0x1e: {  	s7 =	smul.u32 @!p0 $0xF7A, s2;
	p2 =	seq.s32 @!p0 s5, $0x0  }
0x1f: {  	s9 =	smul.u32 $0xF7A, s1;
	s8 =	simm.s32 @!p0 $0x1BF5;
	p2 =	por !p2, p0  }
0x20: {  	[sflag:s8] =	ssyncset.s32 @!p0 $0xFFFFF086;
	s6 =	sadd.s32 @!p0 s3, s7;
	s7 =	simm.s32 @!p0 $0x108  }
0x21: {  	s3 =	sadd.s32 s3, s9;
	s6 =	sadd.s32 @!p0 $0x88, s6;
	s7 =	simm.s32 @p2 $0x1082  }
0x22: {  	[simem:s7], [sflag:s8] =	dma.local @!p0 [hbm:s6], $0xF7A  }
0x23: {  	s9 =	sor.u32 $0xD0000000, s2;
	s6 =	simm.s32 $0x108;
	_ =	swait.ge @!p0 [sflag:s8], $0x0  }
0x24: {  	s3 =	sadd.s32 $0x88, s3;
	s6 =	simm.s32 @!p1 $0x1082;
	[sflag:s4] =	ssyncset.s32 $0xFFFFF086  }
0x25: {  	[simem:s6], [sflag:s4] =	dma.local [hbm:s3], $0xF7A  }
0x26: {  	[smem:$0x3F9B] =	sst s1;
	(tag) =	ssettag s2;
	_ =	strace s9  }
0x27: {  	s1 =	sld [smem:$0x3FAB]  }
0x28: {  	s2 =	sld [smem:$0x3FAC]  }
0x29: {  	s4 =	sld [smem:$0x3FAE]  }
0x2a: {  	p0 =	seq.s32 s5, $0x0;
	s5 =	sld [smem:$0x3FAF]  }
0x2b: {  	s6 =	sld [smem:$0x3FB0]  }
0x2c: {  	s7 =	sld [smem:$0x3FB1]  }
0x2d: {  	s3 =	simm.s32 $0x108;
	s8 =	sld [smem:$0x3FB2]  }
0x2e: {  	s3 =	simm.s32 @!p0 $0x1082;
	s9 =	sld [smem:$0x3FB3]  }
0x2f: {  	lr =	sadd.s32 s0, s3;
	s0 =	sld [smem:$0x3FAA]  }
0x30: {  	s3 =	sld [smem:$0x3FAD]  }
0x31: {  	[smem:$0x3FB6] =	sst s10  }
0x32: {  	s10 =	sld [smem:$0x3FB4];
	_ =	sdelay $0x3  }
0x33: {  	p0 =	seq.s32 s10, $0x1;
	s10 =	sld [smem:$0x3FB6];
	_ =	sdelay $0x3  }
0x34: {  	[smem:$0x3FB6] =	sst s10  }
0x35: {  	s10 =	sld [smem:$0x3FB5];
	_ =	sdelay $0x3  }
0x36: {  	p1 =	seq.s32 s10, $0x1;
	s10 =	sld [smem:$0x3FB6];
	_ =	sdelay $0x3  }
0x37: {  	[smem:$0x3FB6] =	sst s10  }
0x38: {  	s10 =	sld [smem:$0x3FB7]  }
0x39: {  	_ = 	snop;
	(pc) =	sbr.ind lr, $3  }
0x3a: {  	_ = 	snop  }
0x3b: {  	_ = 	snop  }
0x3c: {  	p2 =	seq.s32 s10, $0x1;
	s10 =	sld [smem:$0x3FB6]  }
0x3d: {  	_ =	shalt  }
0x3e: {  	_ =	shalt  }
0x3f: {  	_ =	shalt  }
0x40: {  	_ =	shalt  }
0x41: {  	_ =	shalt  }
0x42: {  	_ =	shalt  }
0x43: {  	_ =	shalt  }
0x44: {  	_ =	shalt  }
0x45: {  	_ =	shalt  }
0x46: {  	_ =	shalt  }
0x47: {  	_ =	shalt  }
0x48: {  	_ =	shalt  }
0x49: {  	_ =	shalt  }
0x4a: {  	_ =	shalt  }
0x4b: {  	_ =	shalt  }
0x4c: {  	_ =	shalt  }
0x4d: {  	_ =	shalt  }
0x4e: {  	_ =	shalt  }
0x4f: {  	_ =	shalt  }
0x50: {  	_ =	shalt  }
0x51: {  	_ =	shalt  }
0x52: {  	_ =	shalt  }
0x53: {  	_ =	shalt  }
0x54: {  	_ =	shalt  }
0x55: {  	_ =	shalt  }
0x56: {  	_ =	shalt  }
0x57: {  	_ =	shalt  }
0x58: {  	_ =	shalt  }
0x59: {  	_ =	shalt  }
0x5a: {  	_ =	shalt  }
0x5b: {  	_ =	shalt  }
0x5c: {  	_ =	shalt  }
0x5d: {  	_ =	shalt  }
0x5e: {  	_ =	shalt  }
0x5f: {  	_ =	shalt  }
0x60: {  	_ =	shalt  }
0x61: {  	_ =	shalt  }
0x62: {  	_ =	shalt  }
0x63: {  	_ =	shalt  }
0x64: {  	_ =	shalt  }
0x65: {  	_ =	shalt  }
0x66: {  	_ =	shalt  }
0x67: {  	_ =	shalt  }
0x68: {  	_ =	shalt  }
0x69: {  	_ =	shalt  }
0x6a: {  	_ =	shalt  }
0x6b: {  	_ =	shalt  }
0x6c: {  	_ =	shalt  }
0x6d: {  	_ =	shalt  }
0x6e: {  	_ =	shalt  }
0x6f: {  	_ =	shalt  }
0x70: {  	_ =	shalt  }
0x71: {  	_ =	shalt  }
0x72: {  	_ =	shalt  }
0x73: {  	_ =	shalt  }
0x74: {  	_ =	shalt  }
0x75: {  	_ =	shalt  }
0x76: {  	_ =	shalt  }
0x77: {  	_ =	shalt  }
0x78: {  	_ =	shalt  }
0x79: {  	_ =	shalt  }
0x7a: {  	_ =	shalt  }
0x7b: {  	_ =	shalt  }
0x7c: {  	_ =	shalt  }
0x7d: {  	_ =	shalt  }
0x7e: {  	_ =	shalt  }
0x7f: {  	_ =	shalt  }
0x80: {  	_ =	shalt  }
0x81: {  	_ =	shalt  }
0x82: {  	_ =	shalt  }
0x83: {  	_ =	shalt  }
0x84: {  	_ =	shalt  }
0x85: {  	_ =	shalt  }
0x86: {  	_ =	shalt  }
0x87: {  	_ =	shalt  }
.Lfunc_end0:
.L_simem_size_0:
called_computation.1_lowered:
.L_overlay_start_0:
0x88: {  	s2 =	sld [smem:$0x3FD9]  }
0x89: {  	s3 =	sld [smem:$0x3FFE];
	_ =	sdelay $0x1  }
0x8a: {  	s1 =	srdreg.scid  }
0x8b: {  	s0 =	sand.u32 $0x1, s1  }
0x8c: {  	s16 =	sshll.u32 s0, $0xA;
	s2 =	sadd.s32 s3, s2  }
0x8d: {  	s2 =	sadd.s32 s2, s16  }
0x8e: {  	[smem:$0x3FC2] =	sst s2  }
0x8f: {  	_ = 	snop  }
0x90: {  	(tm) =	ssettm $0x1  }
0x91: {  	s17 =	sld [smem:$0x3FFB];
	_ =	sdelay $0x3  }
0x92: {  	_ =	strace s17  }
0x93: {  	s2 =	sld [smem:$0x3FFC];
	_ =	sdelay $0x3  }
0x94: {  	_ =	strace s2  }
0x95: {  	s2 =	sld [smem:$0x3FFD];
	_ =	sdelay $0x3  }
0x96: {  	_ =	strace s2  }
0x97: {  	_ =	strace $0x8FFFFFFF  }
0x98: {  	s18 =	sld [smem:$0x3FDB];
	_ =	sdelay $0x1  }
0x99: {  	s19 =	simm.s32 $_scs_section_size  }
0x9a: {  	s4 =	simm.s32 $_size__tile_overlayer_lowered;
	s5 =	simm.s32 $_tile_overlayer_lowered  }
0x9b: {  	s22 =	simm.s32 $0x1BFF;
	s21 =	sshll.u32 s5, $0x1;
	s2 =	sadd.s32 s19, s18  }
0x9c: {  	s6 =	simm.s32 $0x0;
	s20 =	sshll.u32 s4, $0x1;
	s4 =	sadd.s32 s21, s2  }
0x9d: {  	[timem:s6], [sflag:s22] =	dma.local [hbm:s4], s20  }
0x9e: {  	_ =	swait.ge [sflag:s22], s20  }
0x9f: {  	s3 =	ssub.s32 $0x0, s20;
	[sflag:s22] =	ssyncset.done $0x0  }
0xa0: {  	[sflag:s22] =	ssyncadd.s32 s3;
	_ =	sdelay $0x1  }
0xa1: {  	s23 =	simm.s32 $0x1B8B  }
0xa2: {  	_ =	swait.ge [sflag:s23], $0x1  }
0xa3: {  	[sflag:s23] =	ssyncset.done $0x0  }
0xa4: {  	s25 =	simm.s32 $0x1B8E;
	s24 =	sld [smem:$0x3FFE];
	[sflag:s23] =	ssyncadd.s32 $0xFFFFFFFF  }
0xa5: {  	s26 =	simm.s32 $execute0_lowered;
	[smem:$0x3FD2] =	sst s25  }
0xa6: {  	s4 =	sshll.u32 s26, $0x1;
	_ =	strace $0x80000049;
	[dreg:$0x1] =	wrdreg $0xFFFFFFFF  }
0xa7: {  	s28 =	simm.s32 $_size_execute0_lowered;
	s2 =	sadd.s32 s2, s4;
	[dreg:$0x0] =	wrdreg $0x0  }
0xa8: {  	s4 =	sshll.u32 s28, $0x1;
	[dreg:$0x2] =	wrdreg s2  }
0xa9: {  	[dreg:$0x3] =	wrdreg s4  }
0xaa: {  	[dreg:$0x4] =	wrdreg $0xC0  }
0xab: {  	_ =	task [dreg:s6], $0x5FFFF  }
0xac: {  	[dreg:$0x1] =	wrdreg $0xFFFFFFFF  }
0xad: {  	[dreg:$0x0] =	wrdreg $0x60  }
0xae: {  	[dreg:$0x2] =	wrdreg s24  }
0xaf: {  	[dreg:$0x3] =	wrdreg $0xCD000  }
0xb0: {  	[dreg:$0x4] =	wrdreg $0x9  }
0xb1: {  	_ =	task.clear_ibuf [dreg:s6], $0x5FFFF;
	_ =	strace $0x90000049  }
0xb2: {  	s29 =	simm.s32 $0x9;
	_ =	strace $0x8000004B  }
0xb3: {  	_ =	swait.ge [sflag:s29], $0x1  }
0xb4: {  	[sflag:s29] =	ssyncadd.s32 $0xFFFFFFFF  }
0xb5: {  	_ =	strace $0x9000004B  }
0xb6: {  	_ =	sfence  }
0xb7: {  	s30 =	sld [smem:$0x0];
	_ =	sdelay $0x2  }
0xb8: {  	s31 =	sshll.u32 s1, $0xD;
	s1 =	sshrl.u32 s1, $0x2  }
0xb9: {  	s3 =	sand.u32 $0x4000, s31;
	s1 =	sadd.s32 s1, s30  }
0xba: {  	s0 =	sor.u32 s3, s0;
	s1 =	sshll.u32 s1, $0x11  }
0xbb: {  	s0 =	sor.u32 s1, s0  }
0xbc: {  	s0 =	sadd.s32 $0x8F2B, s0  }
0xbd: {  	[sflag:s0] =	ssyncadd.remote.s32 $0x1  }
0xbe: {  	_ =	sfence.sel $0xFFFF  }
0xbf: {  	[dreg:$0x0] =	wrdreg $0xFFFFFFFF;
	(pc) =	sbr.abs _section_cstart, $3  }
0xc0: {  	[dreg:$0x1] =	wrdreg $0xFFFFFFFF  }
0xc1: {  	_ =	task.clear_ibuf [dreg:s6], $0x2FFFF;
	_ =	strace $0x9FFFFFFF  }
0xc2: {  	(tm) =	ssettm $0x7FFFFFFF  }
0xc3: {  	_ =	shalt  }
tec
execute0_lowered:
.L_overlay_start_1:
0x0: {  	(tag) =	ssettag $0x1  }
0x1: {  	s5 =	rddreg [dreg:$0x0]  }
0x2: {  	s2 =	rddreg [dreg:$0x1]  }
0x3: {  	s0 =	srdreg.scid;
	s1 =	rddreg [dreg:$0x2]  }
0x4: {  	s3 =	simm.s32 $0x0;
	s11 =	simm.s32 $0x2;
	s6 =	sand.u32 $0x1, s0  }
0x5: {  	s12 =	simm.s32 $0x80;
	s0 =	stileid.u32;
	s7 =	smul.u32 $0x62000, s6  }
0x6: {  	s13 =	simm.s32 $0x100;
	s14 =	simm.s32 $0x1;
	s8 =	smul.u32 $0x6200, s0  }
0x7: {  	s15 =	simm.s32 $0x0;
	[smem:$0x7FF] =	sst s3;
	s9 =	smul.u32 $0xC400, s0  }
0x8: {  	s4 =	sadd.s32 $0x19C00, s5;
	s10 =	smul.u32 $0xC4000, s6;
	s6 =	ssub.s32 $0x2, s6  }
0x9: {  	_ =	strace $0x8000004A;
	s30 =	sshrl.u32 s6, $0x1;
	s7 =	sadd.s32 s8, s7  }
0xa: {  	s26 =	sadd.s32 s9, s10;
	s31 =	ssub.s32 s6, s30;
	s7 =	sshrl.u32 s7, $0x3  }
0xb: {  	s10 =	simm.s32 $0x900;
	s8 =	sshrl.u32 s26, $0x3;
	s28 =	sadd.s32 s7, s5  }
0xc: {  	s29 =	sadd.s32 s8, s5;
	s5 =	sadd.s32 s9, s2;
	s7 =	smax.u32 s31, $0x1  }
0xd: {  	v0 =	vimm.f32 $0.0e+00;
	s6 =	sadd.s32 $0x32400, s29;
	s8 =	sadd.s32 $0x1400, s28;
	s9 =	sadd.s32 $0xDDC00, s28  }
.LBB2_1:
0xe: {  	s16 =	simm.s32 $0x40;
	s17 =	simm.s32 $0x0  }
.LBB2_2:
0xf: {  	p0 =	sne.s32 s16, $0x30FC0;
	[tilespmem:s17+$0x900] =	vst v0;
	s17 =	smov.u32 s16;
	s16 =	sadd.s32 $0x40, s16  }
.Ltmp0:
0x10: {  	(pc) =	sbr.rel @p0 .LBB2_2-.Ltmp0, $2  }
0x11: {  	_ =	sdelay $0x2  }
0x12: {  	s17 =	sshra.s32 s17, $0x2  }
0x13: {  	[tilespmem:s17+$0x900] =	vst v0  }
0x14: {  	[spmem:s5] =	stream.linear.scatter [tilespmem:s10], [sflag:$0x2], $0xC400, $0x38;
	[tilespmem:$0x19100] =	vst v63  }
0x15: {  	_ =	swait.ge [sflag:s11], $0xC400  }
0x16: {  	[sflag:s11] =	ssyncset.done $0x0  }
0x17: {  	[sflag:s11] =	ssyncadd.s32 $0xFFFF3C00  }
0x18: {  	s16 =	sadd.s32 $0x0, s9;
	[bflag:$0x0] =	sbarrier.arrive $0xFFFF  }
0x19: {  	[tilespmem:s3], [sflag:$0x2] =	stream.linear.gather [hbm4b:s16+s3], $0x80, $0x38;
	[tilespmem:$0x19100] =	vst v63  }
0x1a: {  	_ =	swait.ge [sflag:s11], $0x80  }
0x1b: {  	[sflag:s11] =	ssyncset.done $0x0  }
0x1c: {  	s31 =	sadd.s32 $0x0, s8;
	[sflag:s11] =	ssyncadd.s32 $0xFFFFFF80  }
0x1d: {  	[tilespmem:s12], [sflag:$0x2] =	stream.linear.gather [hbm4b:s31+s3], $0x80, $0x38;
	[tilespmem:$0x19100] =	vst v63  }
0x1e: {  	_ =	swait.ge [sflag:s11], $0x80  }
0x1f: {  	[sflag:s11] =	ssyncset.done $0x0  }
0x20: {  	[sflag:s11] =	ssyncadd.s32 $0xFFFFFF80  }
0x21: {  	[tilespmem:s13], [sflag:$0x1] =	stream.indirect.gather [hbm4b:s4+s12], $0x10, s3, s12, $0xb8;
	[tilespmem:$0x19100] =	vst v63  }
0x22: {  	_ =	swait.ge [sflag:s14], $0x800  }
0x23: {  	[sflag:s14] =	ssyncset.done $0x0  }
0x24: {  	[sflag:s14] =	ssyncadd.s32 $0xFFFFF800  }
0x25: {  	[spmem:s2] =	stream.indirect.scatter.add.f32 [tilespmem:s13], [sflag:$0x2], $0x10, s12, s12, $0xb8;
	[tilespmem:$0x19100] =	vst v63  }
0x26: {  	_ =	swait.ge [sflag:s11], $0x800  }
0x27: {  	s17 =	simm.s32 $0x20;
	s16 =	simm.s32 $0x10;
	[sflag:s11] =	ssyncset.done $0x0  }
.LBB2_4:
0x28: {  	s18 =	sadd.s32 s16, s9  }
0x29: {  	[sflag:s11] =	ssyncadd.s32 $0xFFFFF800;
	s19 =	smov.u32 s17;
	s20 =	sadd.s32 $0x10, s17  }
0x2a: {  	[tilespmem:s3], [sflag:$0x2] =	stream.linear.gather [hbm4b:s18+s3], $0x80, $0x38;
	[tilespmem:$0x19100] =	vst v63  }
0x2b: {  	p0 =	sne.s32 s17, $0xC30;
	_ =	swait.ge [sflag:s11], $0x80  }
0x2c: {  	[sflag:s11] =	ssyncset.done $0x0  }
0x2d: {  	s17 =	sadd.s32 s16, s8;
	s16 =	smov.u32 s19;
	[sflag:s11] =	ssyncadd.s32 $0xFFFFFF80  }
0x2e: {  	[tilespmem:s12], [sflag:$0x2] =	stream.linear.gather [hbm4b:s17+s3], $0x80, $0x38;
	[tilespmem:$0x19100] =	vst v63  }
0x2f: {  	_ =	swait.ge [sflag:s11], $0x80  }
0x30: {  	[sflag:s11] =	ssyncset.done $0x0  }
0x31: {  	[sflag:s11] =	ssyncadd.s32 $0xFFFFFF80  }
0x32: {  	[tilespmem:s13], [sflag:$0x1] =	stream.indirect.gather [hbm4b:s4+s12], $0x10, s3, s12, $0xb8;
	[tilespmem:$0x19100] =	vst v63  }
0x33: {  	_ =	swait.ge [sflag:s14], $0x800  }
.Ltmp1:
0x34: {  	[sflag:s14] =	ssyncset.done $0x0;
	(pc) =	sbr.rel @p0 .LBB2_4-.Ltmp1, $4  }
0x35: {  	[sflag:s14] =	ssyncadd.s32 $0xFFFFF800  }
0x36: {  	[spmem:s2] =	stream.indirect.scatter.add.f32 [tilespmem:s13], [sflag:$0x2], $0x10, s12, s12, $0xb8;
	[tilespmem:$0x19100] =	vst v63  }
0x37: {  	_ =	swait.ge [sflag:s11], $0x800  }
0x38: {  	s17 =	smov.u32 s20;
	[sflag:s11] =	ssyncset.done $0x0  }
0x39: {  	s17 =	sadd.s32 s16, s9;
	[sflag:s11] =	ssyncadd.s32 $0xFFFFF800  }
0x3a: {  	[tilespmem:s3], [sflag:$0x2] =	stream.linear.gather [hbm4b:s17+s3], $0x80, $0x38;
	[tilespmem:$0x19100] =	vst v63  }
0x3b: {  	_ =	swait.ge [sflag:s11], $0x80  }
0x3c: {  	[sflag:s11] =	ssyncset.done $0x0  }
0x3d: {  	s31 =	sadd.s32 s16, s8;
	[sflag:s11] =	ssyncadd.s32 $0xFFFFFF80  }
0x3e: {  	[tilespmem:s12], [sflag:$0x2] =	stream.linear.gather [hbm4b:s31+s3], $0x80, $0x38;
	[tilespmem:$0x19100] =	vst v63  }
0x3f: {  	_ =	swait.ge [sflag:s11], $0x80  }
0x40: {  	[sflag:s11] =	ssyncset.done $0x0  }
0x41: {  	[sflag:s11] =	ssyncadd.s32 $0xFFFFFF80  }
0x42: {  	[tilespmem:s13], [sflag:$0x1] =	stream.indirect.gather [hbm4b:s4+s12], $0x10, s3, s12, $0xb8;
	[tilespmem:$0x19100] =	vst v63  }
0x43: {  	_ =	swait.ge [sflag:s14], $0x800  }
0x44: {  	[sflag:s14] =	ssyncset.done $0x0  }
0x45: {  	[sflag:s14] =	ssyncadd.s32 $0xFFFFF800  }
0x46: {  	[spmem:s2] =	stream.indirect.scatter.add.f32 [tilespmem:s13], [sflag:$0x2], $0x10, s12, s12, $0xb8;
	[tilespmem:$0x19100] =	vst v63  }
0x47: {  	_ =	swait.ge [sflag:s11], $0x800  }
0x48: {  	[sflag:s11] =	ssyncset.done $0x0  }
0x49: {  	[sflag:s11] =	ssyncadd.s32 $0xFFFFF800  }
0x4a: {  	[bflag:$0x0] =	sbarrier.arrive $0xFFFF  }
0x4b: {  	[tilespmem:s10], [sflag:$0x2] =	stream.linear.gather [spmem:s5], $0xC400, $0x38;
	[tilespmem:$0x19100] =	vst v63  }
0x4c: {  	s15 =	sadd.s32 $0x1, s15;
	_ =	swait.ge [sflag:s11], $0xC400  }
0x4d: {  	p0 =	sne.s32 s15, s7;
	[sflag:s11] =	ssyncset.done $0x0  }
.Ltmp2:
0x4e: {  	[sflag:s11] =	ssyncadd.s32 $0xFFFF3C00;
	(pc) =	sbr.rel @p0 .LBB2_1-.Ltmp2, $4  }
0x4f: {  	[hbm4b:s6+s3] =	stream.linear.scatter [tilespmem:s10], [sflag:$0x2], $0xC400, $0x38;
	[tilespmem:$0x19100] =	vst v63  }
0x50: {  	_ =	swait.ge [sflag:s11], $0xC400  }
0x51: {  	[sflag:s11] =	ssyncset.done $0x0  }
0x52: {  	[sflag:s11] =	ssyncadd.s32 $0xFFFF3C00  }
0x53: {  	_ =	sfence.sel $0x180000  }
0x54: {  	[bflag:$0x0] =	sbarrier.arrive $0xFFFF  }
0x55: {  	p0 =	sne.s32 s0, $0x0;
	_ =	strace $0x9000004A  }
0x56: {  	s0 =	sadd.s32 @!p0 $0x100000, s1;
	[bflag:$0x2] =	sbarrier.arrive $0xFFFF  }
0x57: {  	[sflag:s0] =	ssyncadd.tile.s32 @!p0 $0x1;
	_ =	shalt  }
.Lfunc_end2:
_tile_overlayer_lowered:
.L_overlay_start_2:
0x58: {  	(tag) =	ssettag $0x2  }
0x59: {  	s0 =	rddreg [dreg:$0x0];
	s2 =	stileid.u32  }
0x5a: {  	s1 =	rddreg [dreg:$0x1];
	p0 =	sne.s32 s2, $0x0  }
0x5b: {  	s3 =	rddreg [dreg:$0x2];
	[bflag:$0x3] =	sbarrier.arrive $0xFFFF;
	s2 =	simm.s32 @!p0 $0x1C02  }
0x5c: {  	[timem:s3], [sflag:s2] =	dma.local @!p0 [hbm:s0], s1  }
0x5d: {  	s0 =	simm.s32 @!p0 $0x2  }
0x5e: {  	_ =	swait.ge @!p0 [sflag:s0], s1  }
0x5f: {  	s1 =	ssub.s32 @!p0 $0x0, s1;
	[sflag:s0] =	ssyncset.done @!p0 $0x0  }
0x60: {  	[sflag:s0] =	ssyncadd.s32 @!p0 s1  }
0x61: {  	[bflag:$0x3] =	sbarrier.arrive $0xFFFF  }
0x62: {  	_ =	shalt  }

// kernel: kernel.14.cloned.1.call-start
scs
__scs_entry_jumppad:
0x0: {  	(pc) =	sbr.rel $0x88, $3  }
0x1: {  	(tag) =	ssettag $0x0;
	lr =	simm.s32 $0x1  }
0x2: {  	[smem:$0x3F9B] =	sst lr;
	_ =	strace $0xD0000000  }
0x3: {  	_ = 	snop  }
0x4: {  	_ = 	snop  }
0x5: {  	_ = 	snop  }
0x6: {  	_ = 	snop  }
0x7: {  	_ = 	snop  }
__scs_overlays_trampoline_lowered:
0x8: {  	[smem:$0x3FAA] =	sst s0  }
0x9: {  	[smem:$0x3FAB] =	sst s1  }
0xa: {  	[smem:$0x3FAC] =	sst s2  }
0xb: {  	[smem:$0x3FAD] =	sst s3  }
0xc: {  	[smem:$0x3FAE] =	sst s4  }
0xd: {  	[smem:$0x3FAF] =	sst s5  }
0xe: {  	[smem:$0x3FB0] =	sst s6  }
0xf: {  	[smem:$0x3FB1] =	sst s7  }
0x10: {  	[smem:$0x3FB2] =	sst s8  }
0x11: {  	[smem:$0x3FB3] =	sst s9;
	s0 =	simm.s32 @!p0 $0x0  }
0x12: {  	s1 =	sld [smem:$0x3F99];
	s0 =	simm.s32 @p0 $0x1  }
0x13: {  	[smem:$0x3FB4] =	sst s0;
	s0 =	simm.s32 @!p1 $0x0  }
0x14: {  	s2 =	sld [smem:$0x3F98];
	s0 =	simm.s32 @p1 $0x1  }
0x15: {  	[smem:$0x3FB5] =	sst s0;
	s0 =	simm.s32 @!p2 $0x0  }
0x16: {  	s3 =	sld [smem:$0x3FDB];
	s0 =	simm.s32 @p2 $0x1  }
0x17: {  	s4 =	simm.s32 $0x1BF5;
	[smem:$0x3FB7] =	sst s0  }
0x18: {  	s0 =	sld [smem:$0x3F9A];
	_ =	swait.ge [sflag:s4], $0x0  }
0x19: {  	s7 =	sld [smem:$0x3F9B]  }
0x1a: {  	s8 =	sadd.s32 $0xFFFFE003, lr  }
0x1b: {  	s9 =	sadd.s32 $0xFFFFFEF7, lr;
	s5 =	simm.s32 $0xFFFFFFFF;
	p2 =	slt.u32 s8, $0xFFFFF086  }
0x1c: {  	p1 =	slt.u32 s9, $0xF7A;
	s5 =	simm.s32 @!p2 $0x0  }
0x1d: {  	s5 =	simm.s32 @p1 $0x1;
	p0 =	seq.s32 s7, s2  }
0x1e: {  	s7 =	smul.u32 @!p0 $0xF7A, s2;
	p2 =	seq.s32 @!p0 s5, $0x0  }
0x1f: {  	s9 =	smul.u32 $0xF7A, s1;
	s8 =	simm.s32 @!p0 $0x1BF5;
	p2 =	por !p2, p0  }
0x20: {  	[sflag:s8] =	ssyncset.s32 @!p0 $0xFFFFF086;
	s6 =	sadd.s32 @!p0 s3, s7;
	s7 =	simm.s32 @!p0 $0x108  }
0x21: {  	s3 =	sadd.s32 s3, s9;
	s6 =	sadd.s32 @!p0 $0x88, s6;
	s7 =	simm.s32 @p2 $0x1082  }
0x22: {  	[simem:s7], [sflag:s8] =	dma.local @!p0 [hbm:s6], $0xF7A  }
0x23: {  	s9 =	sor.u32 $0xD0000000, s2;
	s6 =	simm.s32 $0x108;
	_ =	swait.ge @!p0 [sflag:s8], $0x0  }
0x24: {  	s3 =	sadd.s32 $0x88, s3;
	s6 =	simm.s32 @!p1 $0x1082;
	[sflag:s4] =	ssyncset.s32 $0xFFFFF086  }
0x25: {  	[simem:s6], [sflag:s4] =	dma.local [hbm:s3], $0xF7A  }
0x26: {  	[smem:$0x3F9B] =	sst s1;
	(tag) =	ssettag s2;
	_ =	strace s9  }
0x27: {  	s1 =	sld [smem:$0x3FAB]  }
0x28: {  	s2 =	sld [smem:$0x3FAC]  }
0x29: {  	s4 =	sld [smem:$0x3FAE]  }
0x2a: {  	p0 =	seq.s32 s5, $0x0;
	s5 =	sld [smem:$0x3FAF]  }
0x2b: {  	s6 =	sld [smem:$0x3FB0]  }
0x2c: {  	s7 =	sld [smem:$0x3FB1]  }
0x2d: {  	s3 =	simm.s32 $0x108;
	s8 =	sld [smem:$0x3FB2]  }
0x2e: {  	s3 =	simm.s32 @!p0 $0x1082;
	s9 =	sld [smem:$0x3FB3]  }
0x2f: {  	lr =	sadd.s32 s0, s3;
	s0 =	sld [smem:$0x3FAA]  }
0x30: {  	s3 =	sld [smem:$0x3FAD]  }
0x31: {  	[smem:$0x3FB6] =	sst s10  }
0x32: {  	s10 =	sld [smem:$0x3FB4];
	_ =	sdelay $0x3  }
0x33: {  	p0 =	seq.s32 s10, $0x1;
	s10 =	sld [smem:$0x3FB6];
	_ =	sdelay $0x3  }
0x34: {  	[smem:$0x3FB6] =	sst s10  }
0x35: {  	s10 =	sld [smem:$0x3FB5];
	_ =	sdelay $0x3  }
0x36: {  	p1 =	seq.s32 s10, $0x1;
	s10 =	sld [smem:$0x3FB6];
	_ =	sdelay $0x3  }
0x37: {  	[smem:$0x3FB6] =	sst s10  }
0x38: {  	s10 =	sld [smem:$0x3FB7]  }
0x39: {  	_ = 	snop;
	(pc) =	sbr.ind lr, $3  }
0x3a: {  	_ = 	snop  }
0x3b: {  	_ = 	snop  }
0x3c: {  	p2 =	seq.s32 s10, $0x1;
	s10 =	sld [smem:$0x3FB6]  }
0x3d: {  	_ =	shalt  }
0x3e: {  	_ =	shalt  }
0x3f: {  	_ =	shalt  }
0x40: {  	_ =	shalt  }
0x41: {  	_ =	shalt  }
0x42: {  	_ =	shalt  }
0x43: {  	_ =	shalt  }
0x44: {  	_ =	shalt  }
0x45: {  	_ =	shalt  }
0x46: {  	_ =	shalt  }
0x47: {  	_ =	shalt  }
0x48: {  	_ =	shalt  }
0x49: {  	_ =	shalt  }
0x4a: {  	_ =	shalt  }
0x4b: {  	_ =	shalt  }
0x4c: {  	_ =	shalt  }
0x4d: {  	_ =	shalt  }
0x4e: {  	_ =	shalt  }
0x4f: {  	_ =	shalt  }
0x50: {  	_ =	shalt  }
0x51: {  	_ =	shalt  }
0x52: {  	_ =	shalt  }
0x53: {  	_ =	shalt  }
0x54: {  	_ =	shalt  }
0x55: {  	_ =	shalt  }
0x56: {  	_ =	shalt  }
0x57: {  	_ =	shalt  }
0x58: {  	_ =	shalt  }
0x59: {  	_ =	shalt  }
0x5a: {  	_ =	shalt  }
0x5b: {  	_ =	shalt  }
0x5c: {  	_ =	shalt  }
0x5d: {  	_ =	shalt  }
0x5e: {  	_ =	shalt  }
0x5f: {  	_ =	shalt  }
0x60: {  	_ =	shalt  }
0x61: {  	_ =	shalt  }
0x62: {  	_ =	shalt  }
0x63: {  	_ =	shalt  }
0x64: {  	_ =	shalt  }
0x65: {  	_ =	shalt  }
0x66: {  	_ =	shalt  }
0x67: {  	_ =	shalt  }
0x68: {  	_ =	shalt  }
0x69: {  	_ =	shalt  }
0x6a: {  	_ =	shalt  }
0x6b: {  	_ =	shalt  }
0x6c: {  	_ =	shalt  }
0x6d: {  	_ =	shalt  }
0x6e: {  	_ =	shalt  }
0x6f: {  	_ =	shalt  }
0x70: {  	_ =	shalt  }
0x71: {  	_ =	shalt  }
0x72: {  	_ =	shalt  }
0x73: {  	_ =	shalt  }
0x74: {  	_ =	shalt  }
0x75: {  	_ =	shalt  }
0x76: {  	_ =	shalt  }
0x77: {  	_ =	shalt  }
0x78: {  	_ =	shalt  }
0x79: {  	_ =	shalt  }
0x7a: {  	_ =	shalt  }
0x7b: {  	_ =	shalt  }
0x7c: {  	_ =	shalt  }
0x7d: {  	_ =	shalt  }
0x7e: {  	_ =	shalt  }
0x7f: {  	_ =	shalt  }
0x80: {  	_ =	shalt  }
0x81: {  	_ =	shalt  }
0x82: {  	_ =	shalt  }
0x83: {  	_ =	shalt  }
0x84: {  	_ =	shalt  }
0x85: {  	_ =	shalt  }
0x86: {  	_ =	shalt  }
0x87: {  	_ =	shalt  }
.Lfunc_end0:
.L_simem_size_0:
called_computation.2_lowered:
.L_overlay_start_0:
0x88: {  	s2 =	sld [smem:$0x3FD9]  }
0x89: {  	s3 =	sld [smem:$0x3FFE];
	_ =	sdelay $0x1  }
0x8a: {  	s1 =	srdreg.scid  }
0x8b: {  	s0 =	sand.u32 $0x1, s1  }
0x8c: {  	s16 =	sshll.u32 s0, $0xA;
	s2 =	sadd.s32 s3, s2  }
0x8d: {  	s2 =	sadd.s32 s2, s16  }
0x8e: {  	[smem:$0x3FC2] =	sst s2  }
0x8f: {  	_ = 	snop  }
0x90: {  	(tm) =	ssettm $0x1  }
0x91: {  	s17 =	sld [smem:$0x3FFB];
	_ =	sdelay $0x3  }
0x92: {  	_ =	strace s17  }
0x93: {  	s2 =	sld [smem:$0x3FFC];
	_ =	sdelay $0x3  }
0x94: {  	_ =	strace s2  }
0x95: {  	s2 =	sld [smem:$0x3FFD];
	_ =	sdelay $0x3  }
0x96: {  	_ =	strace s2  }
0x97: {  	_ =	strace $0x8FFFFFFF  }
0x98: {  	s18 =	sld [smem:$0x3FDB];
	_ =	sdelay $0x1  }
0x99: {  	s19 =	simm.s32 $_scs_section_size  }
0x9a: {  	s4 =	simm.s32 $_size__tile_overlayer_lowered;
	s5 =	simm.s32 $_tile_overlayer_lowered  }
0x9b: {  	s22 =	simm.s32 $0x1BFF;
	s21 =	sshll.u32 s5, $0x1;
	s2 =	sadd.s32 s19, s18  }
0x9c: {  	s6 =	simm.s32 $0x0;
	s20 =	sshll.u32 s4, $0x1;
	s4 =	sadd.s32 s21, s2  }
0x9d: {  	[timem:s6], [sflag:s22] =	dma.local [hbm:s4], s20  }
0x9e: {  	_ =	swait.ge [sflag:s22], s20  }
0x9f: {  	s3 =	ssub.s32 $0x0, s20;
	[sflag:s22] =	ssyncset.done $0x0  }
0xa0: {  	[sflag:s22] =	ssyncadd.s32 s3;
	_ =	sdelay $0x1  }
0xa1: {  	s23 =	simm.s32 $0x1B8B  }
0xa2: {  	_ =	swait.ge [sflag:s23], $0x1  }
0xa3: {  	[sflag:s23] =	ssyncset.done $0x0  }
0xa4: {  	s25 =	simm.s32 $0x1B8E;
	s24 =	sld [smem:$0x3FFE];
	[sflag:s23] =	ssyncadd.s32 $0xFFFFFFFF  }
0xa5: {  	s26 =	simm.s32 $execute0_lowered;
	[smem:$0x3FD2] =	sst s25  }
0xa6: {  	s4 =	sshll.u32 s26, $0x1;
	_ =	strace $0x8000004C;
	[dreg:$0x1] =	wrdreg $0xFFFFFFFF  }
0xa7: {  	s28 =	simm.s32 $_size_execute0_lowered;
	s2 =	sadd.s32 s2, s4;
	[dreg:$0x0] =	wrdreg $0x0  }
0xa8: {  	s4 =	sshll.u32 s28, $0x1;
	[dreg:$0x2] =	wrdreg s2  }
0xa9: {  	[dreg:$0x3] =	wrdreg s4  }
0xaa: {  	[dreg:$0x4] =	wrdreg $0xC0  }
0xab: {  	_ =	task [dreg:s6], $0x5FFFF  }
0xac: {  	[dreg:$0x1] =	wrdreg $0xFFFFFFFF  }
0xad: {  	[dreg:$0x0] =	wrdreg $0x60  }
0xae: {  	[dreg:$0x2] =	wrdreg s24  }
0xaf: {  	[dreg:$0x3] =	wrdreg $0xCD000  }
0xb0: {  	[dreg:$0x4] =	wrdreg $0x9  }
0xb1: {  	_ =	task.clear_ibuf [dreg:s6], $0x5FFFF;
	_ =	strace $0x9000004C  }
0xb2: {  	s29 =	simm.s32 $0x9;
	_ =	strace $0x8000004E  }
0xb3: {  	_ =	swait.ge [sflag:s29], $0x1  }
0xb4: {  	[sflag:s29] =	ssyncadd.s32 $0xFFFFFFFF  }
0xb5: {  	_ =	strace $0x9000004E  }
0xb6: {  	_ =	sfence  }
0xb7: {  	s30 =	sld [smem:$0x0];
	_ =	sdelay $0x2  }
0xb8: {  	s31 =	sshll.u32 s1, $0xD;
	s1 =	sshrl.u32 s1, $0x2  }
0xb9: {  	s3 =	sand.u32 $0x4000, s31;
	s1 =	sadd.s32 s1, s30  }
0xba: {  	s0 =	sor.u32 s3, s0;
	s1 =	sshll.u32 s1, $0x11  }
0xbb: {  	s0 =	sor.u32 s1, s0  }
0xbc: {  	s0 =	sadd.s32 $0x8F2B, s0  }
0xbd: {  	[sflag:s0] =	ssyncadd.remote.s32 $0x1  }
0xbe: {  	_ =	sfence.sel $0xFFFF  }
0xbf: {  	[dreg:$0x0] =	wrdreg $0xFFFFFFFF;
	(pc) =	sbr.abs _section_cstart, $3  }
0xc0: {  	[dreg:$0x1] =	wrdreg $0xFFFFFFFF  }
0xc1: {  	_ =	task.clear_ibuf [dreg:s6], $0x2FFFF;
	_ =	strace $0x9FFFFFFF  }
0xc2: {  	(tm) =	ssettm $0x7FFFFFFF  }
0xc3: {  	_ =	shalt  }
tec
execute0_lowered:
.L_overlay_start_1:
0x0: {  	(tag) =	ssettag $0x1  }
0x1: {  	s5 =	rddreg [dreg:$0x0]  }
0x2: {  	s2 =	rddreg [dreg:$0x1]  }
0x3: {  	s0 =	srdreg.scid;
	s1 =	rddreg [dreg:$0x2]  }
0x4: {  	s3 =	simm.s32 $0x0;
	s11 =	simm.s32 $0x2;
	s6 =	sand.u32 $0x1, s0  }
0x5: {  	s12 =	simm.s32 $0x80;
	s0 =	stileid.u32;
	s7 =	smul.u32 $0x62000, s6  }
0x6: {  	s13 =	simm.s32 $0x100;
	s14 =	simm.s32 $0x1;
	s8 =	smul.u32 $0x6200, s0  }
0x7: {  	s15 =	simm.s32 $0x0;
	[smem:$0x7FF] =	sst s3;
	s9 =	smul.u32 $0xC400, s0  }
0x8: {  	s4 =	sadd.s32 $0xF6400, s5;
	s10 =	smul.u32 $0xC4000, s6;
	s6 =	ssub.s32 $0x2, s6  }
0x9: {  	_ =	strace $0x8000004D;
	s30 =	sshrl.u32 s6, $0x1;
	s7 =	sadd.s32 s8, s7  }
0xa: {  	s26 =	sadd.s32 s9, s10;
	s31 =	ssub.s32 s6, s30;
	s7 =	sshrl.u32 s7, $0x3  }
0xb: {  	s10 =	simm.s32 $0x900;
	s8 =	sshrl.u32 s26, $0x3;
	s28 =	sadd.s32 s7, s5  }
0xc: {  	s29 =	sadd.s32 s8, s5;
	s5 =	sadd.s32 s9, s2;
	s7 =	smax.u32 s31, $0x1  }
0xd: {  	v0 =	vimm.f32 $0.0e+00;
	s6 =	sadd.s32 $0x10EC00, s29;
	s8 =	sadd.s32 $0x1400, s28;
	s9 =	sadd.s32 $0xDDC00, s28  }
.LBB2_1:
0xe: {  	s16 =	simm.s32 $0x40;
	s17 =	simm.s32 $0x0  }
.LBB2_2:
0xf: {  	p0 =	sne.s32 s16, $0x30FC0;
	[tilespmem:s17+$0x900] =	vst v0;
	s17 =	smov.u32 s16;
	s16 =	sadd.s32 $0x40, s16  }
.Ltmp0:
0x10: {  	(pc) =	sbr.rel @p0 .LBB2_2-.Ltmp0, $2  }
0x11: {  	_ =	sdelay $0x2  }
0x12: {  	s17 =	sshra.s32 s17, $0x2  }
0x13: {  	[tilespmem:s17+$0x900] =	vst v0  }
0x14: {  	[spmem:s5] =	stream.linear.scatter [tilespmem:s10], [sflag:$0x2], $0xC400, $0x38;
	[tilespmem:$0x19100] =	vst v63  }
0x15: {  	_ =	swait.ge [sflag:s11], $0xC400  }
0x16: {  	[sflag:s11] =	ssyncset.done $0x0  }
0x17: {  	[sflag:s11] =	ssyncadd.s32 $0xFFFF3C00  }
0x18: {  	s16 =	sadd.s32 $0x0, s9;
	[bflag:$0x0] =	sbarrier.arrive $0xFFFF  }
0x19: {  	[tilespmem:s3], [sflag:$0x2] =	stream.linear.gather [hbm4b:s16+s3], $0x80, $0x38;
	[tilespmem:$0x19100] =	vst v63  }
0x1a: {  	_ =	swait.ge [sflag:s11], $0x80  }
0x1b: {  	[sflag:s11] =	ssyncset.done $0x0  }
0x1c: {  	s31 =	sadd.s32 $0x0, s8;
	[sflag:s11] =	ssyncadd.s32 $0xFFFFFF80  }
0x1d: {  	[tilespmem:s12], [sflag:$0x2] =	stream.linear.gather [hbm4b:s31+s3], $0x80, $0x38;
	[tilespmem:$0x19100] =	vst v63  }
0x1e: {  	_ =	swait.ge [sflag:s11], $0x80  }
0x1f: {  	[sflag:s11] =	ssyncset.done $0x0  }
0x20: {  	[sflag:s11] =	ssyncadd.s32 $0xFFFFFF80  }
0x21: {  	[tilespmem:s13], [sflag:$0x1] =	stream.indirect.gather [hbm4b:s4+s12], $0x10, s3, s12, $0xb8;
	[tilespmem:$0x19100] =	vst v63  }
0x22: {  	_ =	swait.ge [sflag:s14], $0x800  }
0x23: {  	[sflag:s14] =	ssyncset.done $0x0  }
0x24: {  	[sflag:s14] =	ssyncadd.s32 $0xFFFFF800  }
0x25: {  	[spmem:s2] =	stream.indirect.scatter.add.f32 [tilespmem:s13], [sflag:$0x2], $0x10, s12, s12, $0xb8;
	[tilespmem:$0x19100] =	vst v63  }
0x26: {  	_ =	swait.ge [sflag:s11], $0x800  }
0x27: {  	s17 =	simm.s32 $0x20;
	s16 =	simm.s32 $0x10;
	[sflag:s11] =	ssyncset.done $0x0  }
.LBB2_4:
0x28: {  	s18 =	sadd.s32 s16, s9  }
0x29: {  	[sflag:s11] =	ssyncadd.s32 $0xFFFFF800;
	s19 =	smov.u32 s17;
	s20 =	sadd.s32 $0x10, s17  }
0x2a: {  	[tilespmem:s3], [sflag:$0x2] =	stream.linear.gather [hbm4b:s18+s3], $0x80, $0x38;
	[tilespmem:$0x19100] =	vst v63  }
0x2b: {  	p0 =	sne.s32 s17, $0xC30;
	_ =	swait.ge [sflag:s11], $0x80  }
0x2c: {  	[sflag:s11] =	ssyncset.done $0x0  }
0x2d: {  	s17 =	sadd.s32 s16, s8;
	s16 =	smov.u32 s19;
	[sflag:s11] =	ssyncadd.s32 $0xFFFFFF80  }
0x2e: {  	[tilespmem:s12], [sflag:$0x2] =	stream.linear.gather [hbm4b:s17+s3], $0x80, $0x38;
	[tilespmem:$0x19100] =	vst v63  }
0x2f: {  	_ =	swait.ge [sflag:s11], $0x80  }
0x30: {  	[sflag:s11] =	ssyncset.done $0x0  }
0x31: {  	[sflag:s11] =	ssyncadd.s32 $0xFFFFFF80  }
0x32: {  	[tilespmem:s13], [sflag:$0x1] =	stream.indirect.gather [hbm4b:s4+s12], $0x10, s3, s12, $0xb8;
	[tilespmem:$0x19100] =	vst v63  }
0x33: {  	_ =	swait.ge [sflag:s14], $0x800  }
.Ltmp1:
0x34: {  	[sflag:s14] =	ssyncset.done $0x0;
	(pc) =	sbr.rel @p0 .LBB2_4-.Ltmp1, $4  }
0x35: {  	[sflag:s14] =	ssyncadd.s32 $0xFFFFF800  }
0x36: {  	[spmem:s2] =	stream.indirect.scatter.add.f32 [tilespmem:s13], [sflag:$0x2], $0x10, s12, s12, $0xb8;
	[tilespmem:$0x19100] =	vst v63  }
0x37: {  	_ =	swait.ge [sflag:s11], $0x800  }
0x38: {  	s17 =	smov.u32 s20;
	[sflag:s11] =	ssyncset.done $0x0  }
0x39: {  	s17 =	sadd.s32 s16, s9;
	[sflag:s11] =	ssyncadd.s32 $0xFFFFF800  }
0x3a: {  	[tilespmem:s3], [sflag:$0x2] =	stream.linear.gather [hbm4b:s17+s3], $0x80, $0x38;
	[tilespmem:$0x19100] =	vst v63  }
0x3b: {  	_ =	swait.ge [sflag:s11], $0x80  }
0x3c: {  	[sflag:s11] =	ssyncset.done $0x0  }
0x3d: {  	s31 =	sadd.s32 s16, s8;
	[sflag:s11] =	ssyncadd.s32 $0xFFFFFF80  }
0x3e: {  	[tilespmem:s12], [sflag:$0x2] =	stream.linear.gather [hbm4b:s31+s3], $0x80, $0x38;
	[tilespmem:$0x19100] =	vst v63  }
0x3f: {  	_ =	swait.ge [sflag:s11], $0x80  }
0x40: {  	[sflag:s11] =	ssyncset.done $0x0  }
0x41: {  	[sflag:s11] =	ssyncadd.s32 $0xFFFFFF80  }
0x42: {  	[tilespmem:s13], [sflag:$0x1] =	stream.indirect.gather [hbm4b:s4+s12], $0x10, s3, s12, $0xb8;
	[tilespmem:$0x19100] =	vst v63  }
0x43: {  	_ =	swait.ge [sflag:s14], $0x800  }
0x44: {  	[sflag:s14] =	ssyncset.done $0x0  }
0x45: {  	[sflag:s14] =	ssyncadd.s32 $0xFFFFF800  }
0x46: {  	[spmem:s2] =	stream.indirect.scatter.add.f32 [tilespmem:s13], [sflag:$0x2], $0x10, s12, s12, $0xb8;
	[tilespmem:$0x19100] =	vst v63  }
0x47: {  	_ =	swait.ge [sflag:s11], $0x800  }
0x48: {  	[sflag:s11] =	ssyncset.done $0x0  }
0x49: {  	[sflag:s11] =	ssyncadd.s32 $0xFFFFF800  }
0x4a: {  	[bflag:$0x0] =	sbarrier.arrive $0xFFFF  }
0x4b: {  	[tilespmem:s10], [sflag:$0x2] =	stream.linear.gather [spmem:s5], $0xC400, $0x38;
	[tilespmem:$0x19100] =	vst v63  }
0x4c: {  	s15 =	sadd.s32 $0x1, s15;
	_ =	swait.ge [sflag:s11], $0xC400  }
0x4d: {  	p0 =	sne.s32 s15, s7;
	[sflag:s11] =	ssyncset.done $0x0  }
.Ltmp2:
0x4e: {  	[sflag:s11] =	ssyncadd.s32 $0xFFFF3C00;
	(pc) =	sbr.rel @p0 .LBB2_1-.Ltmp2, $4  }
0x4f: {  	[hbm4b:s6+s3] =	stream.linear.scatter [tilespmem:s10], [sflag:$0x2], $0xC400, $0x38;
	[tilespmem:$0x19100] =	vst v63  }
0x50: {  	_ =	swait.ge [sflag:s11], $0xC400  }
0x51: {  	[sflag:s11] =	ssyncset.done $0x0  }
0x52: {  	[sflag:s11] =	ssyncadd.s32 $0xFFFF3C00  }
0x53: {  	_ =	sfence.sel $0x180000  }
0x54: {  	[bflag:$0x0] =	sbarrier.arrive $0xFFFF  }
0x55: {  	p0 =	sne.s32 s0, $0x0;
	_ =	strace $0x9000004D  }
0x56: {  	s0 =	sadd.s32 @!p0 $0x100000, s1;
	[bflag:$0x2] =	sbarrier.arrive $0xFFFF  }
0x57: {  	[sflag:s0] =	ssyncadd.tile.s32 @!p0 $0x1;
	_ =	shalt  }
.Lfunc_end2:
_tile_overlayer_lowered:
.L_overlay_start_2:
0x58: {  	(tag) =	ssettag $0x2  }
0x59: {  	s0 =	rddreg [dreg:$0x0];
	s2 =	stileid.u32  }
0x5a: {  	s1 =	rddreg [dreg:$0x1];
	p0 =	sne.s32 s2, $0x0  }
0x5b: {  	s3 =	rddreg [dreg:$0x2];
	[bflag:$0x3] =	sbarrier.arrive $0xFFFF;
	s2 =	simm.s32 @!p0 $0x1C02  }
0x5c: {  	[timem:s3], [sflag:s2] =	dma.local @!p0 [hbm:s0], s1  }
0x5d: {  	s0 =	simm.s32 @!p0 $0x2  }
0x5e: {  	_ =	swait.ge @!p0 [sflag:s0], s1  }
0x5f: {  	s1 =	ssub.s32 @!p0 $0x0, s1;
	[sflag:s0] =	ssyncset.done @!p0 $0x0  }
0x60: {  	[sflag:s0] =	ssyncadd.s32 @!p0 s1  }
0x61: {  	[bflag:$0x3] =	sbarrier.arrive $0xFFFF  }
0x62: {  	_ =	shalt  }

// kernel: kernel.8.cloned.1.call-start
scs
__scs_entry_jumppad:
0x0: {  	(pc) =	sbr.rel $0x88, $3  }
0x1: {  	(tag) =	ssettag $0x0;
	lr =	simm.s32 $0x1  }
0x2: {  	[smem:$0x3F9B] =	sst lr;
	_ =	strace $0xD0000000  }
0x3: {  	_ = 	snop  }
0x4: {  	_ = 	snop  }
0x5: {  	_ = 	snop  }
0x6: {  	_ = 	snop  }
0x7: {  	_ = 	snop  }
__scs_overlays_trampoline_lowered:
0x8: {  	[smem:$0x3FAA] =	sst s0  }
0x9: {  	[smem:$0x3FAB] =	sst s1  }
0xa: {  	[smem:$0x3FAC] =	sst s2  }
0xb: {  	[smem:$0x3FAD] =	sst s3  }
0xc: {  	[smem:$0x3FAE] =	sst s4  }
0xd: {  	[smem:$0x3FAF] =	sst s5  }
0xe: {  	[smem:$0x3FB0] =	sst s6  }
0xf: {  	[smem:$0x3FB1] =	sst s7  }
0x10: {  	[smem:$0x3FB2] =	sst s8  }
0x11: {  	[smem:$0x3FB3] =	sst s9;
	s0 =	simm.s32 @!p0 $0x0  }
0x12: {  	s1 =	sld [smem:$0x3F99];
	s0 =	simm.s32 @p0 $0x1  }
0x13: {  	[smem:$0x3FB4] =	sst s0;
	s0 =	simm.s32 @!p1 $0x0  }
0x14: {  	s2 =	sld [smem:$0x3F98];
	s0 =	simm.s32 @p1 $0x1  }
0x15: {  	[smem:$0x3FB5] =	sst s0;
	s0 =	simm.s32 @!p2 $0x0  }
0x16: {  	s3 =	sld [smem:$0x3FDB];
	s0 =	simm.s32 @p2 $0x1  }
0x17: {  	s4 =	simm.s32 $0x1BF5;
	[smem:$0x3FB7] =	sst s0  }
0x18: {  	s0 =	sld [smem:$0x3F9A];
	_ =	swait.ge [sflag:s4], $0x0  }
0x19: {  	s7 =	sld [smem:$0x3F9B]  }
0x1a: {  	s8 =	sadd.s32 $0xFFFFE003, lr  }
0x1b: {  	s9 =	sadd.s32 $0xFFFFFEF7, lr;
	s5 =	simm.s32 $0xFFFFFFFF;
	p2 =	slt.u32 s8, $0xFFFFF086  }
0x1c: {  	p1 =	slt.u32 s9, $0xF7A;
	s5 =	simm.s32 @!p2 $0x0  }
0x1d: {  	s5 =	simm.s32 @p1 $0x1;
	p0 =	seq.s32 s7, s2  }
0x1e: {  	s7 =	smul.u32 @!p0 $0xF7A, s2;
	p2 =	seq.s32 @!p0 s5, $0x0  }
0x1f: {  	s9 =	smul.u32 $0xF7A, s1;
	s8 =	simm.s32 @!p0 $0x1BF5;
	p2 =	por !p2, p0  }
0x20: {  	[sflag:s8] =	ssyncset.s32 @!p0 $0xFFFFF086;
	s6 =	sadd.s32 @!p0 s3, s7;
	s7 =	simm.s32 @!p0 $0x108  }
0x21: {  	s3 =	sadd.s32 s3, s9;
	s6 =	sadd.s32 @!p0 $0x88, s6;
	s7 =	simm.s32 @p2 $0x1082  }
0x22: {  	[simem:s7], [sflag:s8] =	dma.local @!p0 [hbm:s6], $0xF7A  }
0x23: {  	s9 =	sor.u32 $0xD0000000, s2;
	s6 =	simm.s32 $0x108;
	_ =	swait.ge @!p0 [sflag:s8], $0x0  }
0x24: {  	s3 =	sadd.s32 $0x88, s3;
	s6 =	simm.s32 @!p1 $0x1082;
	[sflag:s4] =	ssyncset.s32 $0xFFFFF086  }
0x25: {  	[simem:s6], [sflag:s4] =	dma.local [hbm:s3], $0xF7A  }
0x26: {  	[smem:$0x3F9B] =	sst s1;
	(tag) =	ssettag s2;
	_ =	strace s9  }
0x27: {  	s1 =	sld [smem:$0x3FAB]  }
0x28: {  	s2 =	sld [smem:$0x3FAC]  }
0x29: {  	s4 =	sld [smem:$0x3FAE]  }
0x2a: {  	p0 =	seq.s32 s5, $0x0;
	s5 =	sld [smem:$0x3FAF]  }
0x2b: {  	s6 =	sld [smem:$0x3FB0]  }
0x2c: {  	s7 =	sld [smem:$0x3FB1]  }
0x2d: {  	s3 =	simm.s32 $0x108;
	s8 =	sld [smem:$0x3FB2]  }
0x2e: {  	s3 =	simm.s32 @!p0 $0x1082;
	s9 =	sld [smem:$0x3FB3]  }
0x2f: {  	lr =	sadd.s32 s0, s3;
	s0 =	sld [smem:$0x3FAA]  }
0x30: {  	s3 =	sld [smem:$0x3FAD]  }
0x31: {  	[smem:$0x3FB6] =	sst s10  }
0x32: {  	s10 =	sld [smem:$0x3FB4];
	_ =	sdelay $0x3  }
0x33: {  	p0 =	seq.s32 s10, $0x1;
	s10 =	sld [smem:$0x3FB6];
	_ =	sdelay $0x3  }
0x34: {  	[smem:$0x3FB6] =	sst s10  }
0x35: {  	s10 =	sld [smem:$0x3FB5];
	_ =	sdelay $0x3  }
0x36: {  	p1 =	seq.s32 s10, $0x1;
	s10 =	sld [smem:$0x3FB6];
	_ =	sdelay $0x3  }
0x37: {  	[smem:$0x3FB6] =	sst s10  }
0x38: {  	s10 =	sld [smem:$0x3FB7]  }
0x39: {  	_ = 	snop;
	(pc) =	sbr.ind lr, $3  }
0x3a: {  	_ = 	snop  }
0x3b: {  	_ = 	snop  }
0x3c: {  	p2 =	seq.s32 s10, $0x1;
	s10 =	sld [smem:$0x3FB6]  }
0x3d: {  	_ =	shalt  }
0x3e: {  	_ =	shalt  }
0x3f: {  	_ =	shalt  }
0x40: {  	_ =	shalt  }
0x41: {  	_ =	shalt  }
0x42: {  	_ =	shalt  }
0x43: {  	_ =	shalt  }
0x44: {  	_ =	shalt  }
0x45: {  	_ =	shalt  }
0x46: {  	_ =	shalt  }
0x47: {  	_ =	shalt  }
0x48: {  	_ =	shalt  }
0x49: {  	_ =	shalt  }
0x4a: {  	_ =	shalt  }
0x4b: {  	_ =	shalt  }
0x4c: {  	_ =	shalt  }
0x4d: {  	_ =	shalt  }
0x4e: {  	_ =	shalt  }
0x4f: {  	_ =	shalt  }
0x50: {  	_ =	shalt  }
0x51: {  	_ =	shalt  }
0x52: {  	_ =	shalt  }
0x53: {  	_ =	shalt  }
0x54: {  	_ =	shalt  }
0x55: {  	_ =	shalt  }
0x56: {  	_ =	shalt  }
0x57: {  	_ =	shalt  }
0x58: {  	_ =	shalt  }
0x59: {  	_ =	shalt  }
0x5a: {  	_ =	shalt  }
0x5b: {  	_ =	shalt  }
0x5c: {  	_ =	shalt  }
0x5d: {  	_ =	shalt  }
0x5e: {  	_ =	shalt  }
0x5f: {  	_ =	shalt  }
0x60: {  	_ =	shalt  }
0x61: {  	_ =	shalt  }
0x62: {  	_ =	shalt  }
0x63: {  	_ =	shalt  }
0x64: {  	_ =	shalt  }
0x65: {  	_ =	shalt  }
0x66: {  	_ =	shalt  }
0x67: {  	_ =	shalt  }
0x68: {  	_ =	shalt  }
0x69: {  	_ =	shalt  }
0x6a: {  	_ =	shalt  }
0x6b: {  	_ =	shalt  }
0x6c: {  	_ =	shalt  }
0x6d: {  	_ =	shalt  }
0x6e: {  	_ =	shalt  }
0x6f: {  	_ =	shalt  }
0x70: {  	_ =	shalt  }
0x71: {  	_ =	shalt  }
0x72: {  	_ =	shalt  }
0x73: {  	_ =	shalt  }
0x74: {  	_ =	shalt  }
0x75: {  	_ =	shalt  }
0x76: {  	_ =	shalt  }
0x77: {  	_ =	shalt  }
0x78: {  	_ =	shalt  }
0x79: {  	_ =	shalt  }
0x7a: {  	_ =	shalt  }
0x7b: {  	_ =	shalt  }
0x7c: {  	_ =	shalt  }
0x7d: {  	_ =	shalt  }
0x7e: {  	_ =	shalt  }
0x7f: {  	_ =	shalt  }
0x80: {  	_ =	shalt  }
0x81: {  	_ =	shalt  }
0x82: {  	_ =	shalt  }
0x83: {  	_ =	shalt  }
0x84: {  	_ =	shalt  }
0x85: {  	_ =	shalt  }
0x86: {  	_ =	shalt  }
0x87: {  	_ =	shalt  }
.Lfunc_end0:
.L_simem_size_0:
called_computation_lowered:
.L_overlay_start_0:
0x88: {  	s2 =	sld [smem:$0x3FD9]  }
0x89: {  	s3 =	sld [smem:$0x3FFE];
	_ =	sdelay $0x1  }
0x8a: {  	s1 =	srdreg.scid  }
0x8b: {  	s0 =	sand.u32 $0x1, s1  }
0x8c: {  	s17 =	sshll.u32 s0, $0xA;
	s2 =	sadd.s32 s3, s2  }
0x8d: {  	s2 =	sadd.s32 s2, s17  }
0x8e: {  	[smem:$0x3FC2] =	sst s2  }
0x8f: {  	_ = 	snop  }
0x90: {  	s2 =	sld [smem:$0x3FD0];
	(tm) =	ssettm $0x1  }
0x91: {  	s18 =	sld [smem:$0x3FFB];
	_ =	sdelay $0x3  }
0x92: {  	_ =	strace s18  }
0x93: {  	s3 =	sld [smem:$0x3FFC];
	_ =	sdelay $0x3  }
0x94: {  	_ =	strace s3  }
0x95: {  	s3 =	sld [smem:$0x3FFD];
	_ =	sdelay $0x3  }
0x96: {  	_ =	strace s3  }
0x97: {  	_ =	strace $0x8FFFFFFF  }
0x98: {  	s19 =	sld [smem:$0x3FDB];
	_ =	sdelay $0x1  }
0x99: {  	s4 =	simm.s32 $_scs_section_size  }
0x9a: {  	s5 =	simm.s32 $_size__tile_overlayer_lowered;
	s6 =	simm.s32 $_tile_overlayer_lowered  }
0x9b: {  	s22 =	simm.s32 $0x1BFF;
	s21 =	sshll.u32 s6, $0x1;
	s3 =	sadd.s32 s4, s19  }
0x9c: {  	s7 =	simm.s32 $0x0;
	s20 =	sshll.u32 s5, $0x1;
	s5 =	sadd.s32 s21, s3  }
0x9d: {  	[timem:s7], [sflag:s22] =	dma.local [hbm:s5], s20  }
0x9e: {  	_ =	swait.ge [sflag:s22], s20  }
0x9f: {  	s4 =	ssub.s32 $0x0, s20;
	[sflag:s22] =	ssyncset.done $0x0  }
0xa0: {  	[sflag:s22] =	ssyncadd.s32 s4;
	_ =	sdelay $0x1  }
0xa1: {  	s23 =	simm.s32 $0x1B8B  }
0xa2: {  	_ =	swait.ge [sflag:s23], $0x1  }
0xa3: {  	[sflag:s23] =	ssyncset.done $0x0  }
0xa4: {  	s25 =	simm.s32 $0x1B8E;
	s24 =	sld [smem:$0x3FFE];
	[sflag:s23] =	ssyncadd.s32 $0xFFFFFFFF  }
0xa5: {  	s26 =	simm.s32 $execute0_lowered;
	[smem:$0x3FD2] =	sst s25  }
0xa6: {  	s5 =	sshll.u32 s26, $0x1;
	_ =	strace $0x80000046;
	[dreg:$0x1] =	wrdreg $0xFFFFFFFF  }
0xa7: {  	s28 =	simm.s32 $_size_execute0_lowered;
	s3 =	sadd.s32 s3, s5;
	[dreg:$0x0] =	wrdreg $0x0  }
0xa8: {  	s5 =	sshll.u32 s28, $0x1;
	[dreg:$0x2] =	wrdreg s3  }
0xa9: {  	[dreg:$0x3] =	wrdreg s5  }
0xaa: {  	[dreg:$0x4] =	wrdreg $0xC0  }
0xab: {  	_ =	task [dreg:s7], $0x5FFFF  }
0xac: {  	[dreg:$0x1] =	wrdreg $0xFFFFFFFF  }
0xad: {  	[dreg:$0x0] =	wrdreg $0x60  }
0xae: {  	[dreg:$0x2] =	wrdreg s24  }
0xaf: {  	[dreg:$0x3] =	wrdreg s2  }
0xb0: {  	[dreg:$0x4] =	wrdreg $0xD400  }
0xb1: {  	[dreg:$0x5] =	wrdreg $0x9  }
0xb2: {  	_ =	task.clear_ibuf [dreg:s7], $0x6FFFF;
	_ =	strace $0x90000046  }
0xb3: {  	s29 =	simm.s32 $0x9;
	_ =	strace $0x80000048  }
0xb4: {  	_ =	swait.ge [sflag:s29], $0x1  }
0xb5: {  	[sflag:s29] =	ssyncadd.s32 $0xFFFFFFFF  }
0xb6: {  	_ =	strace $0x90000048  }
0xb7: {  	_ =	sfence  }
0xb8: {  	s30 =	sld [smem:$0x0];
	_ =	sdelay $0x2  }
0xb9: {  	s31 =	sshll.u32 s1, $0xD;
	s1 =	sshrl.u32 s1, $0x2  }
0xba: {  	s3 =	sand.u32 $0x4000, s31;
	s1 =	sadd.s32 s1, s30  }
0xbb: {  	s0 =	sor.u32 s3, s0;
	s1 =	sshll.u32 s1, $0x11  }
0xbc: {  	s0 =	sor.u32 s1, s0  }
0xbd: {  	s0 =	sadd.s32 $0x8F2B, s0  }
0xbe: {  	[sflag:s0] =	ssyncadd.remote.s32 $0x1  }
0xbf: {  	_ =	sfence.sel $0xFFFF  }
0xc0: {  	[dreg:$0x0] =	wrdreg $0xFFFFFFFF;
	(pc) =	sbr.abs _section_cstart, $3  }
0xc1: {  	[dreg:$0x1] =	wrdreg $0xFFFFFFFF  }
0xc2: {  	_ =	task.clear_ibuf [dreg:s7], $0x2FFFF;
	_ =	strace $0x9FFFFFFF  }
0xc3: {  	(tm) =	ssettm $0x7FFFFFFF  }
tec
execute0_lowered:
.L_overlay_start_1:
0x0: {  	(tag) =	ssettag $0x1  }
0x1: {  	s4 =	rddreg [dreg:$0x0]  }
0x2: {  	s0 =	srdreg.scid;
	s5 =	rddreg [dreg:$0x1]  }
0x3: {  	s2 =	rddreg [dreg:$0x2];
	s6 =	sand.u32 $0x1, s0  }
0x4: {  	s0 =	stileid.u32;
	s7 =	smul.u32 $0x62000, s6  }
0x5: {  	s1 =	rddreg [dreg:$0x3];
	s8 =	smul.u32 $0x6200, s0  }
0x6: {  	s3 =	simm.s32 $0x0;
	s11 =	simm.s32 $0x0;
	s9 =	smul.u32 $0xC40, s0  }
0x7: {  	[smem:$0x7FF] =	sst s3;
	s10 =	smul.u32 $0xC400, s6;
	s6 =	ssub.s32 $0x2, s6  }
0x8: {  	_ =	strace $0x80000047;
	s31 =	sshrl.u32 s6, $0x1;
	s7 =	sadd.s32 s8, s7  }
0x9: {  	s30 =	sadd.s32 s9, s10;
	s6 =	ssub.s32 s6, s31;
	s10 =	simm.s32 $0x80  }
0xa: {  	s7 =	sshrl.u32 s7, $0x3;
	s8 =	sshrl.u32 s30, $0x3;
	s6 =	smax.u32 s6, $0x1  }
0xb: {  	s7 =	sadd.s32 s7, s4;
	s4 =	sadd.s32 s9, s2;
	s5 =	sadd.s32 s5, s8  }
0xc: {  	v0 =	vimm.f32 $0.0e+00;
	v1 =	vimm.f32 $1.000000000e+00;
	s8 =	simm.s32 $0x100;
	s9 =	simm.s32 $0x1;
	s7 =	sadd.s32 $0x1400, s7  }
.LBB2_1:
0xd: {  	s12 =	simm.s32 $0x40;
	s13 =	simm.s32 $0x0  }
.LBB2_2:
0xe: {  	p0 =	sne.s32 s12, $0x30C0;
	[tilespmem:s13+$0x100] =	vst v0;
	s13 =	smov.u32 s12;
	s12 =	sadd.s32 $0x40, s12  }
.Ltmp0:
0xf: {  	(pc) =	sbr.rel @p0 .LBB2_2-.Ltmp0, $2  }
0x10: {  	_ =	sdelay $0x2  }
0x11: {  	s13 =	sshra.s32 s13, $0x2  }
0x12: {  	[tilespmem:s13+$0x100] =	vst v0  }
0x13: {  	[tilespmem:$0x80] =	vst v1  }
0x14: {  	[tilespmem:$0x90] =	vst v1  }
0x15: {  	[tilespmem:$0xA0] =	vst v1  }
0x16: {  	[tilespmem:$0xB0] =	vst v1  }
0x17: {  	[tilespmem:$0xC0] =	vst v1  }
0x18: {  	[tilespmem:$0xD0] =	vst v1  }
0x19: {  	[tilespmem:$0xE0] =	vst v1  }
0x1a: {  	[tilespmem:$0xF0] =	vst v1  }
0x1b: {  	[spmem:s4] =	stream.linear.scatter [tilespmem:s8], [sflag:$0x1], $0xC40, $0x38;
	[tilespmem:$0x1980] =	vst v63  }
0x1c: {  	_ =	swait.ge [sflag:s9], $0xC40  }
0x1d: {  	[sflag:s9] =	ssyncset.done $0x0  }
0x1e: {  	[sflag:s9] =	ssyncadd.s32 $0xFFFFF3C0  }
0x1f: {  	s12 =	sadd.s32 $0x0, s7;
	[bflag:$0x0] =	sbarrier.arrive $0xFFFF  }
0x20: {  	[tilespmem:s3], [sflag:$0x1] =	stream.linear.gather [hbm4b:s12+s3], $0x80, $0x38;
	[tilespmem:$0x1980] =	vst v63  }
0x21: {  	_ =	swait.ge [sflag:s9], $0x80  }
0x22: {  	[sflag:s9] =	ssyncset.done $0x0  }
0x23: {  	[sflag:s9] =	ssyncadd.s32 $0xFFFFFF80  }
0x24: {  	[spmem:s2] =	stream.indirect.scatter.add.f32 [tilespmem:s10], [sflag:$0x1], $0x1, s3, s10, $0xb8;
	[tilespmem:$0x1980] =	vst v63  }
0x25: {  	_ =	swait.ge [sflag:s9], $0x80  }
0x26: {  	s13 =	simm.s32 $0x20;
	s12 =	simm.s32 $0x10;
	[sflag:s9] =	ssyncset.done $0x0  }
.LBB2_4:
0x27: {  	s14 =	sadd.s32 s12, s7  }
0x28: {  	[sflag:s9] =	ssyncadd.s32 $0xFFFFFF80;
	s12 =	smov.u32 s13;
	s15 =	sadd.s32 $0x10, s13  }
0x29: {  	[tilespmem:s3], [sflag:$0x1] =	stream.linear.gather [hbm4b:s14+s3], $0x80, $0x38;
	[tilespmem:$0x1980] =	vst v63  }
0x2a: {  	p0 =	sne.s32 s13, $0xC30;
	_ =	swait.ge [sflag:s9], $0x80  }
.Ltmp1:
0x2b: {  	[sflag:s9] =	ssyncset.done $0x0;
	(pc) =	sbr.rel @p0 .LBB2_4-.Ltmp1, $4  }
0x2c: {  	[sflag:s9] =	ssyncadd.s32 $0xFFFFFF80  }
0x2d: {  	[spmem:s2] =	stream.indirect.scatter.add.f32 [tilespmem:s10], [sflag:$0x1], $0x1, s3, s10, $0xb8;
	[tilespmem:$0x1980] =	vst v63  }
0x2e: {  	_ =	swait.ge [sflag:s9], $0x80  }
0x2f: {  	s13 =	smov.u32 s15;
	[sflag:s9] =	ssyncset.done $0x0  }
0x30: {  	s12 =	sadd.s32 s12, s7;
	[sflag:s9] =	ssyncadd.s32 $0xFFFFFF80  }
0x31: {  	[tilespmem:s3], [sflag:$0x1] =	stream.linear.gather [hbm4b:s12+s3], $0x80, $0x38;
	[tilespmem:$0x1980] =	vst v63  }
0x32: {  	_ =	swait.ge [sflag:s9], $0x80  }
0x33: {  	[sflag:s9] =	ssyncset.done $0x0  }
0x34: {  	[sflag:s9] =	ssyncadd.s32 $0xFFFFFF80  }
0x35: {  	[spmem:s2] =	stream.indirect.scatter.add.f32 [tilespmem:s10], [sflag:$0x1], $0x1, s3, s10, $0xb8;
	[tilespmem:$0x1980] =	vst v63  }
0x36: {  	_ =	swait.ge [sflag:s9], $0x80  }
0x37: {  	[sflag:s9] =	ssyncset.done $0x0  }
0x38: {  	[sflag:s9] =	ssyncadd.s32 $0xFFFFFF80  }
0x39: {  	[bflag:$0x0] =	sbarrier.arrive $0xFFFF  }
0x3a: {  	[tilespmem:s8], [sflag:$0x1] =	stream.linear.gather [spmem:s4], $0xC40, $0x38;
	[tilespmem:$0x1980] =	vst v63  }
0x3b: {  	s11 =	sadd.s32 $0x1, s11;
	_ =	swait.ge [sflag:s9], $0xC40  }
0x3c: {  	p0 =	sne.s32 s11, s6;
	[sflag:s9] =	ssyncset.done $0x0  }
.Ltmp2:
0x3d: {  	[sflag:s9] =	ssyncadd.s32 $0xFFFFF3C0;
	(pc) =	sbr.rel @p0 .LBB2_1-.Ltmp2, $4  }
0x3e: {  	[hbm4b:s5+s3] =	stream.linear.scatter [tilespmem:s8], [sflag:$0x1], $0xC40, $0x38;
	[tilespmem:$0x1980] =	vst v63  }
0x3f: {  	_ =	swait.ge [sflag:s9], $0xC40  }
0x40: {  	[sflag:s9] =	ssyncset.done $0x0  }
0x41: {  	[sflag:s9] =	ssyncadd.s32 $0xFFFFF3C0  }
0x42: {  	_ =	sfence.sel $0x180000  }
0x43: {  	[bflag:$0x0] =	sbarrier.arrive $0xFFFF  }
0x44: {  	p0 =	sne.s32 s0, $0x0;
	_ =	strace $0x90000047  }
0x45: {  	s0 =	sadd.s32 @!p0 $0x100000, s1;
	[bflag:$0x2] =	sbarrier.arrive $0xFFFF  }
0x46: {  	[sflag:s0] =	ssyncadd.tile.s32 @!p0 $0x1;
	_ =	shalt  }
.Lfunc_end2:
_tile_overlayer_lowered:
.L_overlay_start_2:
0x47: {  	(tag) =	ssettag $0x2  }
0x48: {  	s0 =	rddreg [dreg:$0x0];
	s2 =	stileid.u32  }
0x49: {  	s1 =	rddreg [dreg:$0x1];
	p0 =	sne.s32 s2, $0x0  }
0x4a: {  	s3 =	rddreg [dreg:$0x2];
	[bflag:$0x3] =	sbarrier.arrive $0xFFFF;
	s2 =	simm.s32 @!p0 $0x1C01  }
0x4b: {  	[timem:s3], [sflag:s2] =	dma.local @!p0 [hbm:s0], s1  }
0x4c: {  	s0 =	simm.s32 @!p0 $0x1  }
0x4d: {  	_ =	swait.ge @!p0 [sflag:s0], s1  }
0x4e: {  	s1 =	ssub.s32 @!p0 $0x0, s1;
	[sflag:s0] =	ssyncset.done @!p0 $0x0  }
0x4f: {  	[sflag:s0] =	ssyncadd.s32 @!p0 s1  }
0x50: {  	[bflag:$0x3] =	sbarrier.arrive $0xFFFF  }
0x51: {  	_ =	shalt  }

</sc_bundles>
